<compile_context>
chip_gen: v7x
topology: tpu7x:2x2x1
jax: 0.10.2.dev20260603
libtpu: 0.0.44.dev20260713+nightly
codegen_flags: <defaults>
</compile_context>

<pallas_src>
import functools

import jax
import jax.numpy as jnp
from jax import lax
from jax.experimental import pallas as pl
from jax.experimental.pallas import tpu as pltpu
from jax.experimental.pallas import tpu_sc as plsc

D = H = W = 128
N = D * H * W
NC, NS = 2, 16
NW = NC * NS
PER_W = N // NW
CHUNK = 8192
NCHUNK = PER_W // CHUNK
LANES = 16

TC_COLS = 128
TC_ROWS = N // TC_COLS
TC_BLOCK = 2048
TC_GRID = TC_ROWS // TC_BLOCK


def _remap(s, lanes):
    five = jnp.full(lanes, 5, jnp.int32)
    zero = jnp.zeros(lanes, jnp.int32)
    return jnp.where(s < 5, s, jnp.where(s == 18, five, zero))



def _sc_kernel(lab_hbm, roi_hbm, lo_hbm, roi_o_hbm,
               lab_v, lo_v, roi_v, roi_o_v, sem_i0, sem_i1, sem_o0, sem_o1):
    wid = lax.axis_index("s") * NC + lax.axis_index("c")
    sem_in = (sem_i0, sem_i1)
    sem_out = (sem_o0, sem_o1)

    def start_in(ci, slot):
        base = wid * PER_W + ci * CHUNK
        sl = pl.ds(base, CHUNK)
        pltpu.async_copy(lab_hbm.at[sl], lab_v.at[slot], sem_in[slot])
        pltpu.async_copy(roi_hbm.at[sl], roi_v.at[slot], sem_in[slot])

    def wait_in(slot):
        sl = pl.ds(0, CHUNK)
        pltpu.make_async_copy(lab_hbm.at[sl], lab_v.at[slot],
                              sem_in[slot]).wait()
        pltpu.make_async_copy(roi_hbm.at[sl], roi_v.at[slot],
                              sem_in[slot]).wait()

    def start_out(ci, slot):
        base = wid * PER_W + ci * CHUNK
        sl = pl.ds(base, CHUNK)
        pltpu.async_copy(lo_v.at[slot], lo_hbm.at[sl], sem_out[slot])
        pltpu.async_copy(roi_o_v.at[slot], roi_o_hbm.at[sl], sem_out[slot])

    def wait_out(slot):
        sl = pl.ds(0, CHUNK)
        pltpu.make_async_copy(lo_v.at[slot], lo_hbm.at[sl],
                              sem_out[slot]).wait()
        pltpu.make_async_copy(roi_o_v.at[slot], roi_o_hbm.at[sl],
                              sem_out[slot]).wait()

    def compute(slot):
        @plsc.parallel_loop(0, CHUNK // LANES, unroll=4)
        def _(i):
            off = i * LANES
            lo_v[slot, pl.ds(off, LANES)] = _remap(
                lab_v[slot, pl.ds(off, LANES)], (LANES,))
            roi_o_v[slot, pl.ds(off, LANES)] = roi_v[slot, pl.ds(off, LANES)]

    start_in(0, 0)
    start_in(1, 1)

    def chunk_pair(i, _):
        ci0 = i * 2
        for b in (0, 1):
            ci = ci0 + b
            wait_in(b)

            @pl.when(ci >= 2)
            def _():
                wait_out(b)

            compute(b)
            start_out(ci, b)

            @pl.when(ci + 2 < NCHUNK)
            def _():
                start_in(ci + 2, b)

        return 0

    lax.fori_loop(0, NCHUNK // 2, chunk_pair, 0)
    wait_out(0)
    wait_out(1)


@jax.jit
def _run_sc(lab_f, roi_f):
    mesh = plsc.VectorSubcoreMesh(core_axis_name="c", subcore_axis_name="s")
    k = functools.partial(
        pl.kernel, mesh=mesh,
        compiler_params=pltpu.CompilerParams(needs_layout_passes=False),
        out_type=(
            jax.ShapeDtypeStruct((N,), jnp.int32),
            jax.ShapeDtypeStruct((N,), jnp.int32),
        ),
        scratch_types=[
            pltpu.VMEM((2, CHUNK), jnp.int32),
            pltpu.VMEM((2, CHUNK), jnp.int32),
            pltpu.VMEM((2, CHUNK), jnp.int32),
            pltpu.VMEM((2, CHUNK), jnp.int32),
            pltpu.SemaphoreType.DMA,
            pltpu.SemaphoreType.DMA,
            pltpu.SemaphoreType.DMA,
            pltpu.SemaphoreType.DMA,
        ],
    )(_sc_kernel)
    return k(lab_f, roi_f)



def _tc_kernel(tab_ref, slab_ref, noise_ref, img_ref,
               simg_ref, so_ref, img_o_ref):
    s = slab_ref[...]
    w = jnp.zeros_like(s)
    for c in range(19):
        w = jnp.where(s == c, tab_ref[c], w)
    mu_v = lax.bitcast_convert_type(w & jnp.int32(-65536), jnp.float32)
    sg_v = lax.bitcast_convert_type(w << 16, jnp.float32)
    simg_ref[...] = mu_v + sg_v * noise_ref[...]
    so_ref[...] = _remap(s, s.shape)
    img_o_ref[...] = img_ref[...]


@jax.jit
def _run_tc(tab, slab_f, noise_f, img_f):
    slab2 = slab_f.reshape(TC_ROWS, TC_COLS)
    noise2 = noise_f.reshape(TC_ROWS, TC_COLS)
    img2 = img_f.reshape(TC_ROWS, TC_COLS)
    bs = pl.BlockSpec((TC_BLOCK, TC_COLS), lambda i: (i, 0))
    simg2, so2, img_o2 = pl.pallas_call(
        _tc_kernel,
        grid=(TC_GRID,),
        in_specs=[
            pl.BlockSpec(memory_space=pltpu.SMEM),
            bs, bs, bs,
        ],
        out_specs=(bs, bs, bs),
        out_shape=(
            jax.ShapeDtypeStruct((TC_ROWS, TC_COLS), jnp.float32),
            jax.ShapeDtypeStruct((TC_ROWS, TC_COLS), jnp.int32),
            jax.ShapeDtypeStruct((TC_ROWS, TC_COLS), jnp.float32),
        ),
    )(tab, slab2, noise2, img2)
    return simg2, so2, img_o2


def kernel(slab, img, lab, roi, mu, sigma, noise):
    slab_f = slab.reshape(N).astype(jnp.int32)
    lab_f = lab.reshape(N).astype(jnp.int32)
    noise_f = noise.reshape(N).astype(jnp.float32)
    img_f = img.reshape(N).astype(jnp.float32)
    roi_f = roi.reshape(N).astype(jnp.int32)
    mu_bits = lax.bitcast_convert_type(
        mu.astype(jnp.float32).astype(jnp.bfloat16), jnp.uint16
    ).astype(jnp.int32)
    sg_bits = lax.bitcast_convert_type(
        sigma.astype(jnp.float32).astype(jnp.bfloat16), jnp.uint16
    ).astype(jnp.int32)
    tab = jnp.pad((mu_bits << 16) | sg_bits, (0, 32 - mu.shape[0]))

    lo_f, roi_of = _run_sc(lab_f, roi_f)
    simg2, so2, img_o2 = _run_tc(tab, slab_f, noise_f, img_f)

    simg = simg2.reshape(1, D, H, W)
    slab_out = so2.reshape(1, D, H, W).astype(slab.dtype)
    img_out = img_o2.reshape(1, D, H, W)
    roi_out = roi_of.reshape(1, D, H, W).astype(roi.dtype)
    rlab_out = lo_f.reshape(1, D, H, W).astype(lab.dtype)
    return (simg, slab_out, img_out, rlab_out, roi_out)

# --- scband reference (transcript-rebuilt; emitter-appended) ---
"""Pipeline reference for scband-shared-synth-41910290874826 (READ-ONLY COPY).

The authoritative reference and input builder live on the scoring server;
editing this copy changes nothing except your own understanding.
"""

import jax, jax.numpy as jnp
import numpy as np

N_CLASSES = 18
TARGET_LABELS = [(1,), (2,), (3,), (4,), (18,)]


def setup_inputs(seed: int = 0) -> dict:
    key = jax.random.key(seed)
    k1, k2, k3, k4, k5, k6, k7 = jax.random.split(key, 7)
    D, H, W = 128, 128, 128
    slab = jax.random.randint(k1, (1, D, H, W), 0, N_CLASSES + 1)
    img = jax.random.normal(k2, (1, D, H, W), dtype=jnp.float32)
    lab = jax.random.randint(k3, (1, D, H, W), 0, N_CLASSES + 1)
    roi = jax.random.randint(k4, (1, D, H, W), 0, 2)
    # GMM per-class intensity params (the learned/sampled synth state)
    mu = jax.random.uniform(k5, (N_CLASSES + 1,), dtype=jnp.float32)
    sigma = jax.random.uniform(k6, (N_CLASSES + 1,), dtype=jnp.float32) * 0.1 + 0.05
    noise = jax.random.normal(k7, (1, D, H, W), dtype=jnp.float32)
    return {"slab": slab, "img": img, "lab": lab, "roi": roi, "mu": mu, "sigma": sigma, "noise": noise}


def _remap_labels(label_map):
    # LUT: sparse label values -> consecutive class indices (0..5)
    lut = jnp.zeros(N_CLASSES + 1, dtype=label_map.dtype)
    for class_index, group in enumerate(TARGET_LABELS, start=1):
        for value in group:
            lut = lut.at[value].set(class_index)
    nb_classes = len(TARGET_LABELS) + 1
    return jnp.clip(jnp.take(lut, label_map, axis=0), 0, nb_classes - 1)


def reference(slab, img, lab, roi, mu, sigma, noise):
    img = img.astype(jnp.float32)
    # one-hot: (D,H,W,19) -> (19,D,H,W), matching torch one_hot().permute(3,0,1,2)
    oh_slab = jax.nn.one_hot(slab[0], N_CLASSES + 1, dtype=jnp.float32)
    oh_slab = jnp.transpose(oh_slab, (3, 0, 1, 2))
    # GMM synthesis: per-voxel intensity ~ N(mu_class, sigma_class)
    mean_img = jnp.tensordot(mu, oh_slab, axes=([0], [0]))
    std_img = jnp.tensordot(sigma, oh_slab, axes=([0], [0]))
    simg = (mean_img + std_img * noise[0])[None]
    # no_augs=True: real branch passes through unchanged; labels remapped via LUT gather
    slab_out = _remap_labels(slab)
    rlab_out = _remap_labels(lab)
    return (simg, slab_out, img, rlab_out, roi)

if __name__ == "__main__":
    import jax
    _d = setup_inputs()
    print(jax.jit(kernel)(*tuple(_d.values())))

</pallas_src>

<mosaic_0001>
#map = affine_map<(d0, d1) -> (0)>
module attributes {stable_mosaic.version = 14 : i64} {
  func.func @_sc_kernel(%arg0: i32, %arg1: i32, %arg2: memref<2097152xi32, #tpu.memory_space<hbm>>, %arg3: memref<2097152xi32, #tpu.memory_space<hbm>>, %arg4: memref<2097152xi32, #tpu.memory_space<hbm>>, %arg5: memref<2097152xi32, #tpu.memory_space<hbm>>, %arg6: memref<2x8192xi32, #tpu.memory_space<vmem>>, %arg7: memref<2x8192xi32, #tpu.memory_space<vmem>>, %arg8: memref<2x8192xi32, #tpu.memory_space<vmem>>, %arg9: memref<2x8192xi32, #tpu.memory_space<vmem>>, %arg10: memref<!tpu.dma_semaphore, #tpu.memory_space<semaphore_mem>>, %arg11: memref<!tpu.dma_semaphore, #tpu.memory_space<semaphore_mem>>, %arg12: memref<!tpu.dma_semaphore, #tpu.memory_space<semaphore_mem>>, %arg13: memref<!tpu.dma_semaphore, #tpu.memory_space<semaphore_mem>>) attributes {dimension_semantics = [#tpu.dimension_semantics<core_parallel>, #tpu.dimension_semantics<subcore_parallel>], iteration_bounds = array<i64: 2, 16>, scalar_prefetch = 0 : i64, scratch_operands = 8 : i64, tpu.core_type = #tpu.core_type<sc_vector_subcore>, window_params = [{transform_indices = #map}, {transform_indices = #map}, {transform_indices = #map}, {transform_indices = #map}]} {
    %mul3A = arith.constant 2 : i32
    %mul3A_0 = arith.muli %arg1, %mul3A : i32
    %add3A = arith.addi %mul3A_0, %arg0 : i32
    %mul3A_1 = arith.constant 65536 : i32
    %mul3A_2 = arith.muli %add3A, %mul3A_1 : i32
    %add3A_3 = arith.constant 0 : i32
    %add3A_4 = arith.addi %mul3A_2, %add3A_3 : i32
    %dma_start3A = arith.constant 0 : i32
    %dma_start3A_5 = arith.constant 0 : i32
    %dma_start3A_6 = tpu.memref_slice %arg6[%dma_start3A, %dma_start3A_5] : memref<2x8192xi32, #tpu.memory_space<vmem>> -> memref<1x8192xi32, #tpu.memory_space<vmem>>
    %dma_start3A_7 = tpu.memref_squeeze %dma_start3A_6 : memref<1x8192xi32, #tpu.memory_space<vmem>> -> memref<8192xi32, #tpu.memory_space<vmem>>
    %dma_start3A_8 = tpu.memref_slice %arg2[%add3A_4] : memref<2097152xi32, #tpu.memory_space<hbm>> -> memref<8192xi32, #tpu.memory_space<hbm>>
    %dma_start3A_9 = arith.constant 0 : i32
    %dma_start3A_10 = tpu.memref_slice %arg6[%dma_start3A, %dma_start3A_9] : memref<2x8192xi32, #tpu.memory_space<vmem>> -> memref<1x8192xi32, #tpu.memory_space<vmem>>
    %dma_start3A_11 = tpu.memref_squeeze %dma_start3A_10 : memref<1x8192xi32, #tpu.memory_space<vmem>> -> memref<8192xi32, #tpu.memory_space<vmem>>
    %dma_start3A_12 = tpu.memref_slice %arg2[%add3A_4] : memref<2097152xi32, #tpu.memory_space<hbm>> -> memref<8192xi32, #tpu.memory_space<hbm>>
    tpu.enqueue_dma source(%dma_start3A_12 : memref<8192xi32, #tpu.memory_space<hbm>>) target(%dma_start3A_11 : memref<8192xi32, #tpu.memory_space<vmem>>) target_semaphore(%arg10 : memref<!tpu.dma_semaphore, #tpu.memory_space<semaphore_mem>>)
    %dma_start3A_13 = arith.constant 0 : i32
    %dma_start3A_14 = arith.constant 0 : i32
    %dma_start3A_15 = tpu.memref_slice %arg8[%dma_start3A_13, %dma_start3A_14] : memref<2x8192xi32, #tpu.memory_space<vmem>> -> memref<1x8192xi32, #tpu.memory_space<vmem>>
    %dma_start3A_16 = tpu.memref_squeeze %dma_start3A_15 : memref<1x8192xi32, #tpu.memory_space<vmem>> -> memref<8192xi32, #tpu.memory_space<vmem>>
    %dma_start3A_17 = tpu.memref_slice %arg3[%add3A_4] : memref<2097152xi32, #tpu.memory_space<hbm>> -> memref<8192xi32, #tpu.memory_space<hbm>>
    %dma_start3A_18 = arith.constant 0 : i32
    %dma_start3A_19 = tpu.memref_slice %arg8[%dma_start3A_13, %dma_start3A_18] : memref<2x8192xi32, #tpu.memory_space<vmem>> -> memref<1x8192xi32, #tpu.memory_space<vmem>>
    %dma_start3A_20 = tpu.memref_squeeze %dma_start3A_19 : memref<1x8192xi32, #tpu.memory_space<vmem>> -> memref<8192xi32, #tpu.memory_space<vmem>>
    %dma_start3A_21 = tpu.memref_slice %arg3[%add3A_4] : memref<2097152xi32, #tpu.memory_space<hbm>> -> memref<8192xi32, #tpu.memory_space<hbm>>
    tpu.enqueue_dma source(%dma_start3A_21 : memref<8192xi32, #tpu.memory_space<hbm>>) target(%dma_start3A_20 : memref<8192xi32, #tpu.memory_space<vmem>>) target_semaphore(%arg10 : memref<!tpu.dma_semaphore, #tpu.memory_space<semaphore_mem>>)
    %mul3A_22 = arith.constant 65536 : i32
    %mul3A_23 = arith.muli %add3A, %mul3A_22 : i32
    %add3A_24 = arith.constant 8192 : i32
    %add3A_25 = arith.addi %mul3A_23, %add3A_24 : i32
    %dma_start3A_26 = arith.constant 1 : i32
    %dma_start3A_27 = arith.constant 0 : i32
    %dma_start3A_28 = tpu.memref_slice %arg6[%dma_start3A_26, %dma_start3A_27] : memref<2x8192xi32, #tpu.memory_space<vmem>> -> memref<1x8192xi32, #tpu.memory_space<vmem>>
    %dma_start3A_29 = tpu.memref_squeeze %dma_start3A_28 : memref<1x8192xi32, #tpu.memory_space<vmem>> -> memref<8192xi32, #tpu.memory_space<vmem>>
    %dma_start3A_30 = tpu.memref_slice %arg2[%add3A_25] : memref<2097152xi32, #tpu.memory_space<hbm>> -> memref<8192xi32, #tpu.memory_space<hbm>>
    %dma_start3A_31 = arith.constant 0 : i32
    %dma_start3A_32 = tpu.memref_slice %arg6[%dma_start3A_26, %dma_start3A_31] : memref<2x8192xi32, #tpu.memory_space<vmem>> -> memref<1x8192xi32, #tpu.memory_space<vmem>>
    %dma_start3A_33 = tpu.memref_squeeze %dma_start3A_32 : memref<1x8192xi32, #tpu.memory_space<vmem>> -> memref<8192xi32, #tpu.memory_space<vmem>>
    %dma_start3A_34 = tpu.memref_slice %arg2[%add3A_25] : memref<2097152xi32, #tpu.memory_space<hbm>> -> memref<8192xi32, #tpu.memory_space<hbm>>
    tpu.enqueue_dma source(%dma_start3A_34 : memref<8192xi32, #tpu.memory_space<hbm>>) target(%dma_start3A_33 : memref<8192xi32, #tpu.memory_space<vmem>>) target_semaphore(%arg11 : memref<!tpu.dma_semaphore, #tpu.memory_space<semaphore_mem>>)
    %dma_start3A_35 = arith.constant 1 : i32
    %dma_start3A_36 = arith.constant 0 : i32
    %dma_start3A_37 = tpu.memref_slice %arg8[%dma_start3A_35, %dma_start3A_36] : memref<2x8192xi32, #tpu.memory_space<vmem>> -> memref<1x8192xi32, #tpu.memory_space<vmem>>
    %dma_start3A_38 = tpu.memref_squeeze %dma_start3A_37 : memref<1x8192xi32, #tpu.memory_space<vmem>> -> memref<8192xi32, #tpu.memory_space<vmem>>
    %dma_start3A_39 = tpu.memref_slice %arg3[%add3A_25] : memref<2097152xi32, #tpu.memory_space<hbm>> -> memref<8192xi32, #tpu.memory_space<hbm>>
    %dma_start3A_40 = arith.constant 0 : i32
    %dma_start3A_41 = tpu.memref_slice %arg8[%dma_start3A_35, %dma_start3A_40] : memref<2x8192xi32, #tpu.memory_space<vmem>> -> memref<1x8192xi32, #tpu.memory_space<vmem>>
    %dma_start3A_42 = tpu.memref_squeeze %dma_start3A_41 : memref<1x8192xi32, #tpu.memory_space<vmem>> -> memref<8192xi32, #tpu.memory_space<vmem>>
    %dma_start3A_43 = tpu.memref_slice %arg3[%add3A_25] : memref<2097152xi32, #tpu.memory_space<hbm>> -> memref<8192xi32, #tpu.memory_space<hbm>>
    tpu.enqueue_dma source(%dma_start3A_43 : memref<8192xi32, #tpu.memory_space<hbm>>) target(%dma_start3A_42 : memref<8192xi32, #tpu.memory_space<vmem>>) target_semaphore(%arg11 : memref<!tpu.dma_semaphore, #tpu.memory_space<semaphore_mem>>)
    %scan3A = arith.constant 0 : i32
    %scan3A_44 = arith.constant 0 : i32
    %scan3A_45 = arith.constant 4 : i32
    %scan3A_46 = arith.addi %scan3A_44, %scan3A_45 : i32
    %scan3A_47 = arith.constant 1 : i32
    %scan3A_48 = scf.for %scan3A_93 = %scan3A_44 to %scan3A_46 step %scan3A_47 iter_args(%scan3A_94 = %scan3A) -> (i32)  : i32 {
      %mul3A_95 = arith.constant 2 : i32
      %mul3A_96 = arith.muli %scan3A_93, %mul3A_95 : i32
      %add3A_97 = arith.constant 0 : i32
      %add3A_98 = arith.addi %mul3A_96, %add3A_97 : i32
      %dma_wait3A_99 = arith.constant 0 : i32
      %dma_wait3A_100 = arith.constant 0 : i32
      %dma_wait3A_101 = tpu.memref_slice %arg6[%dma_wait3A_99, %dma_wait3A_100] : memref<2x8192xi32, #tpu.memory_space<vmem>> -> memref<1x8192xi32, #tpu.memory_space<vmem>>
      %dma_wait3A_102 = tpu.memref_squeeze %dma_wait3A_101 : memref<1x8192xi32, #tpu.memory_space<vmem>> -> memref<8192xi32, #tpu.memory_space<vmem>>
      %dma_wait3A_103 = arith.constant 0 : i32
      %dma_wait3A_104 = tpu.memref_slice %arg2[%dma_wait3A_103] : memref<2097152xi32, #tpu.memory_space<hbm>> -> memref<8192xi32, #tpu.memory_space<hbm>>
      %dma_wait3A_105 = arith.constant 0 : i32
      %dma_wait3A_106 = tpu.memref_slice %arg6[%dma_wait3A_99, %dma_wait3A_105] : memref<2x8192xi32, #tpu.memory_space<vmem>> -> memref<1x8192xi32, #tpu.memory_space<vmem>>
      %dma_wait3A_107 = tpu.memref_squeeze %dma_wait3A_106 : memref<1x8192xi32, #tpu.memory_space<vmem>> -> memref<8192xi32, #tpu.memory_space<vmem>>
      %dma_wait3A_108 = arith.constant 0 : i32
      %dma_wait3A_109 = tpu.memref_slice %arg2[%dma_wait3A_108] : memref<2097152xi32, #tpu.memory_space<hbm>> -> memref<8192xi32, #tpu.memory_space<hbm>>
      tpu.wait_dma2 semaphore(%arg10 : memref<!tpu.dma_semaphore, #tpu.memory_space<semaphore_mem>>) src(%dma_wait3A_109 : memref<8192xi32, #tpu.memory_space<hbm>>) dst(%dma_wait3A_107 : memref<8192xi32, #tpu.memory_space<vmem>>)
      %dma_wait3A_110 = arith.constant 0 : i32
      %dma_wait3A_111 = arith.constant 0 : i32
      %dma_wait3A_112 = tpu.memref_slice %arg8[%dma_wait3A_110, %dma_wait3A_111] : memref<2x8192xi32, #tpu.memory_space<vmem>> -> memref<1x8192xi32, #tpu.memory_space<vmem>>
      %dma_wait3A_113 = tpu.memref_squeeze %dma_wait3A_112 : memref<1x8192xi32, #tpu.memory_space<vmem>> -> memref<8192xi32, #tpu.memory_space<vmem>>
      %dma_wait3A_114 = arith.constant 0 : i32
      %dma_wait3A_115 = tpu.memref_slice %arg3[%dma_wait3A_114] : memref<2097152xi32, #tpu.memory_space<hbm>> -> memref<8192xi32, #tpu.memory_space<hbm>>
      %dma_wait3A_116 = arith.constant 0 : i32
      %dma_wait3A_117 = tpu.memref_slice %arg8[%dma_wait3A_110, %dma_wait3A_116] : memref<2x8192xi32, #tpu.memory_space<vmem>> -> memref<1x8192xi32, #tpu.memory_space<vmem>>
      %dma_wait3A_118 = tpu.memref_squeeze %dma_wait3A_117 : memref<1x8192xi32, #tpu.memory_space<vmem>> -> memref<8192xi32, #tpu.memory_space<vmem>>
      %dma_wait3A_119 = arith.constant 0 : i32
      %dma_wait3A_120 = tpu.memref_slice %arg3[%dma_wait3A_119] : memref<2097152xi32, #tpu.memory_space<hbm>> -> memref<8192xi32, #tpu.memory_space<hbm>>
      tpu.wait_dma2 semaphore(%arg10 : memref<!tpu.dma_semaphore, #tpu.memory_space<semaphore_mem>>) src(%dma_wait3A_120 : memref<8192xi32, #tpu.memory_space<hbm>>) dst(%dma_wait3A_118 : memref<8192xi32, #tpu.memory_space<vmem>>)
      %ge3A = arith.constant 2 : i32
      %ge3A_121 = arith.cmpi sge, %add3A_98, %ge3A : i32
      %convert_element_type3A = arith.extui %ge3A_121 : i1 to i32
      %cond3A = arith.constant 0 : i32
      %cond3A_122 = arith.cmpi ne, %convert_element_type3A, %cond3A : i32
      scf.if %cond3A_122 {
        %dma_wait3A_217 = arith.constant 0 : i32
        %dma_wait3A_218 = arith.constant 0 : i32
        %dma_wait3A_219 = tpu.memref_slice %arg7[%dma_wait3A_217, %dma_wait3A_218] : memref<2x8192xi32, #tpu.memory_space<vmem>> -> memref<1x8192xi32, #tpu.memory_space<vmem>>
        %dma_wait3A_220 = tpu.memref_squeeze %dma_wait3A_219 : memref<1x8192xi32, #tpu.memory_space<vmem>> -> memref<8192xi32, #tpu.memory_space<vmem>>
        %dma_wait3A_221 = arith.constant 0 : i32
        %dma_wait3A_222 = tpu.memref_slice %arg4[%dma_wait3A_221] : memref<2097152xi32, #tpu.memory_space<hbm>> -> memref<8192xi32, #tpu.memory_space<hbm>>
        %dma_wait3A_223 = arith.constant 0 : i32
        %dma_wait3A_224 = tpu.memref_slice %arg4[%dma_wait3A_223] : memref<2097152xi32, #tpu.memory_space<hbm>> -> memref<8192xi32, #tpu.memory_space<hbm>>
        %dma_wait3A_225 = arith.constant 0 : i32
        %dma_wait3A_226 = tpu.memref_slice %arg7[%dma_wait3A_217, %dma_wait3A_225] : memref<2x8192xi32, #tpu.memory_space<vmem>> -> memref<1x8192xi32, #tpu.memory_space<vmem>>
        %dma_wait3A_227 = tpu.memref_squeeze %dma_wait3A_226 : memref<1x8192xi32, #tpu.memory_space<vmem>> -> memref<8192xi32, #tpu.memory_space<vmem>>
        tpu.wait_dma2 semaphore(%arg12 : memref<!tpu.dma_semaphore, #tpu.memory_space<semaphore_mem>>) src(%dma_wait3A_227 : memref<8192xi32, #tpu.memory_space<vmem>>) dst(%dma_wait3A_224 : memref<8192xi32, #tpu.memory_space<hbm>>)
        %dma_wait3A_228 = arith.constant 0 : i32
        %dma_wait3A_229 = arith.constant 0 : i32
        %dma_wait3A_230 = tpu.memref_slice %arg9[%dma_wait3A_228, %dma_wait3A_229] : memref<2x8192xi32, #tpu.memory_space<vmem>> -> memref<1x8192xi32, #tpu.memory_space<vmem>>
        %dma_wait3A_231 = tpu.memref_squeeze %dma_wait3A_230 : memref<1x8192xi32, #tpu.memory_space<vmem>> -> memref<8192xi32, #tpu.memory_space<vmem>>
        %dma_wait3A_232 = arith.constant 0 : i32
        %dma_wait3A_233 = tpu.memref_slice %arg5[%dma_wait3A_232] : memref<2097152xi32, #tpu.memory_space<hbm>> -> memref<8192xi32, #tpu.memory_space<hbm>>
        %dma_wait3A_234 = arith.constant 0 : i32
        %dma_wait3A_235 = tpu.memref_slice %arg5[%dma_wait3A_234] : memref<2097152xi32, #tpu.memory_space<hbm>> -> memref<8192xi32, #tpu.memory_space<hbm>>
        %dma_wait3A_236 = arith.constant 0 : i32
        %dma_wait3A_237 = tpu.memref_slice %arg9[%dma_wait3A_228, %dma_wait3A_236] : memref<2x8192xi32, #tpu.memory_space<vmem>> -> memref<1x8192xi32, #tpu.memory_space<vmem>>
        %dma_wait3A_238 = tpu.memref_squeeze %dma_wait3A_237 : memref<1x8192xi32, #tpu.memory_space<vmem>> -> memref<8192xi32, #tpu.memory_space<vmem>>
        tpu.wait_dma2 semaphore(%arg12 : memref<!tpu.dma_semaphore, #tpu.memory_space<semaphore_mem>>) src(%dma_wait3A_238 : memref<8192xi32, #tpu.memory_space<vmem>>) dst(%dma_wait3A_235 : memref<8192xi32, #tpu.memory_space<hbm>>)
      } else {
      }
      %parallel_loop3A = arith.constant 0 : i32
      %parallel_loop3A_123 = arith.constant 512 : i32
      %parallel_loop3A_124 = arith.constant 1 : i32
      scf.for %parallel_loop3A_217 = %parallel_loop3A to %parallel_loop3A_123 step %parallel_loop3A_124  : i32 {
        %parallel_loop3A_218 = arith.constant 16 : i32
        %parallel_loop3A_219 = arith.muli %parallel_loop3A_217, %parallel_loop3A_218 : i32
        %parallel_loop3A_220 = arith.constant 0 : i32
        %parallel_loop3A_221 = arith.index_cast %parallel_loop3A_220 : i32 to index
        %parallel_loop3A_222 = arith.index_cast %parallel_loop3A_219 : i32 to index
        %parallel_loop3A_223 = tpu.vector_load %arg6[%parallel_loop3A_221, %parallel_loop3A_222] {strides = array<i32>} : memref<2x8192xi32, #tpu.memory_space<vmem>>, vector<16xi32>,
        %parallel_loop3A_224 = arith.constant 5 : i32
        %parallel_loop3A_225 = vector.broadcast %parallel_loop3A_224 : i32 to vector<16xi32>
        %parallel_loop3A_226 = arith.constant 0 : i32
        %parallel_loop3A_227 = vector.broadcast %parallel_loop3A_226 : i32 to vector<16xi32>
        %parallel_loop3A_228 = arith.constant 5 : i32
        %parallel_loop3A_229 = vector.broadcast %parallel_loop3A_228 : i32 to vector<16xi32>
        %parallel_loop3A_230 = arith.cmpi slt, %parallel_loop3A_223, %parallel_loop3A_229 : vector<16xi32>
        %parallel_loop3A_231 = arith.constant 18 : i32
        %parallel_loop3A_232 = vector.broadcast %parallel_loop3A_231 : i32 to vector<16xi32>
        %parallel_loop3A_233 = arith.cmpi eq, %parallel_loop3A_223, %parallel_loop3A_232 : vector<16xi32>
        %parallel_loop3A_234 = arith.select %parallel_loop3A_233, %parallel_loop3A_225, %parallel_loop3A_227 : vector<16xi1>, vector<16xi32>
        %parallel_loop3A_235 = arith.select %parallel_loop3A_230, %parallel_loop3A_223, %parallel_loop3A_234 : vector<16xi1>, vector<16xi32>
        %parallel_loop3A_236 = arith.constant 0 : i32
        %parallel_loop3A_237 = arith.index_cast %parallel_loop3A_236 : i32 to index
        %parallel_loop3A_238 = arith.index_cast %parallel_loop3A_219 : i32 to index
        %parallel_loop3A_239 = tpu.vector_load %arg7[%parallel_loop3A_237, %parallel_loop3A_238] {strides = array<i32>} : memref<2x8192xi32, #tpu.memory_space<vmem>>, vector<16xi32>,
        tpu.vector_store %arg7[%parallel_loop3A_237, %parallel_loop3A_238], %parallel_loop3A_235 {strides = array<i32>} : memref<2x8192xi32, #tpu.memory_space<vmem>>, vector<16xi32>,
        %parallel_loop3A_240 = arith.constant 0 : i32
        %parallel_loop3A_241 = arith.index_cast %parallel_loop3A_240 : i32 to index
        %parallel_loop3A_242 = arith.index_cast %parallel_loop3A_219 : i32 to index
        %parallel_loop3A_243 = tpu.vector_load %arg8[%parallel_loop3A_241, %parallel_loop3A_242] {strides = array<i32>} : memref<2x8192xi32, #tpu.memory_space<vmem>>, vector<16xi32>,
        %parallel_loop3A_244 = arith.constant 0 : i32
        %parallel_loop3A_245 = arith.index_cast %parallel_loop3A_244 : i32 to index
        %parallel_loop3A_246 = arith.index_cast %parallel_loop3A_219 : i32 to index
        %parallel_loop3A_247 = tpu.vector_load %arg9[%parallel_loop3A_245, %parallel_loop3A_246] {strides = array<i32>} : memref<2x8192xi32, #tpu.memory_space<vmem>>, vector<16xi32>,
        tpu.vector_store %arg9[%parallel_loop3A_245, %parallel_loop3A_246], %parallel_loop3A_243 {strides = array<i32>} : memref<2x8192xi32, #tpu.memory_space<vmem>>, vector<16xi32>,
      } {sc.loop_unroll_factor = 4 : i64, sc.parallel_access}
      %mul3A_125 = arith.constant 65536 : i32
      %mul3A_126 = arith.muli %add3A, %mul3A_125 : i32
      %mul3A_127 = arith.constant 8192 : i32
      %mul3A_128 = arith.muli %add3A_98, %mul3A_127 : i32
      %add3A_129 = arith.addi %mul3A_126, %mul3A_128 : i32
      %dma_start3A_130 = arith.constant 0 : i32
      %dma_start3A_131 = arith.constant 0 : i32
      %dma_start3A_132 = tpu.memref_slice %arg7[%dma_start3A_130, %dma_start3A_131] : memref<2x8192xi32, #tpu.memory_space<vmem>> -> memref<1x8192xi32, #tpu.memory_space<vmem>>
      %dma_start3A_133 = tpu.memref_squeeze %dma_start3A_132 : memref<1x8192xi32, #tpu.memory_space<vmem>> -> memref<8192xi32, #tpu.memory_space<vmem>>
      %dma_start3A_134 = tpu.memref_slice %arg4[%add3A_129] : memref<2097152xi32, #tpu.memory_space<hbm>> -> memref<8192xi32, #tpu.memory_space<hbm>>
      %dma_start3A_135 = tpu.memref_slice %arg4[%add3A_129] : memref<2097152xi32, #tpu.memory_space<hbm>> -> memref<8192xi32, #tpu.memory_space<hbm>>
      %dma_start3A_136 = arith.constant 0 : i32
      %dma_start3A_137 = tpu.memref_slice %arg7[%dma_start3A_130, %dma_start3A_136] : memref<2x8192xi32, #tpu.memory_space<vmem>> -> memref<1x8192xi32, #tpu.memory_space<vmem>>
      %dma_start3A_138 = tpu.memref_squeeze %dma_start3A_137 : memref<1x8192xi32, #tpu.memory_space<vmem>> -> memref<8192xi32, #tpu.memory_space<vmem>>
      tpu.enqueue_dma source(%dma_start3A_138 : memref<8192xi32, #tpu.memory_space<vmem>>) target(%dma_start3A_135 : memref<8192xi32, #tpu.memory_space<hbm>>) target_semaphore(%arg12 : memref<!tpu.dma_semaphore, #tpu.memory_space<semaphore_mem>>)
      %dma_start3A_139 = arith.constant 0 : i32
      %dma_start3A_140 = arith.constant 0 : i32
      %dma_start3A_141 = tpu.memref_slice %arg9[%dma_start3A_139, %dma_start3A_140] : memref<2x8192xi32, #tpu.memory_space<vmem>> -> memref<1x8192xi32, #tpu.memory_space<vmem>>
      %dma_start3A_142 = tpu.memref_squeeze %dma_start3A_141 : memref<1x8192xi32, #tpu.memory_space<vmem>> -> memref<8192xi32, #tpu.memory_space<vmem>>
      %dma_start3A_143 = tpu.memref_slice %arg5[%add3A_129] : memref<2097152xi32, #tpu.memory_space<hbm>> -> memref<8192xi32, #tpu.memory_space<hbm>>
      %dma_start3A_144 = tpu.memref_slice %arg5[%add3A_129] : memref<2097152xi32, #tpu.memory_space<hbm>> -> memref<8192xi32, #tpu.memory_space<hbm>>
      %dma_start3A_145 = arith.constant 0 : i32
      %dma_start3A_146 = tpu.memref_slice %arg9[%dma_start3A_139, %dma_start3A_145] : memref<2x8192xi32, #tpu.memory_space<vmem>> -> memref<1x8192xi32, #tpu.memory_space<vmem>>
      %dma_start3A_147 = tpu.memref_squeeze %dma_start3A_146 : memref<1x8192xi32, #tpu.memory_space<vmem>> -> memref<8192xi32, #tpu.memory_space<vmem>>
      tpu.enqueue_dma source(%dma_start3A_147 : memref<8192xi32, #tpu.memory_space<vmem>>) target(%dma_start3A_144 : memref<8192xi32, #tpu.memory_space<hbm>>) target_semaphore(%arg12 : memref<!tpu.dma_semaphore, #tpu.memory_space<semaphore_mem>>)
      %add3A_148 = arith.constant 2 : i32
      %add3A_149 = arith.addi %add3A_98, %add3A_148 : i32
      %lt3A = arith.constant 8 : i32
      %lt3A_150 = arith.cmpi slt, %add3A_149, %lt3A : i32
      %convert_element_type3A_151 = arith.extui %lt3A_150 : i1 to i32
      %cond3A_152 = arith.constant 0 : i32
      %cond3A_153 = arith.cmpi ne, %convert_element_type3A_151, %cond3A_152 : i32
      scf.if %cond3A_153 {
        %add3A_217 = arith.constant 2 : i32
        %add3A_218 = arith.addi %add3A_98, %add3A_217 : i32
        %mul3A_219 = arith.constant 65536 : i32
        %mul3A_220 = arith.muli %add3A, %mul3A_219 : i32
        %mul3A_221 = arith.constant 8192 : i32
        %mul3A_222 = arith.muli %add3A_218, %mul3A_221 : i32
        %add3A_223 = arith.addi %mul3A_220, %mul3A_222 : i32
        %dma_start3A_224 = arith.constant 0 : i32
        %dma_start3A_225 = arith.constant 0 : i32
        %dma_start3A_226 = tpu.memref_slice %arg6[%dma_start3A_224, %dma_start3A_225] : memref<2x8192xi32, #tpu.memory_space<vmem>> -> memref<1x8192xi32, #tpu.memory_space<vmem>>
        %dma_start3A_227 = tpu.memref_squeeze %dma_start3A_226 : memref<1x8192xi32, #tpu.memory_space<vmem>> -> memref<8192xi32, #tpu.memory_space<vmem>>
        %dma_start3A_228 = tpu.memref_slice %arg2[%add3A_223] : memref<2097152xi32, #tpu.memory_space<hbm>> -> memref<8192xi32, #tpu.memory_space<hbm>>
        %dma_start3A_229 = arith.constant 0 : i32
        %dma_start3A_230 = tpu.memref_slice %arg6[%dma_start3A_224, %dma_start3A_229] : memref<2x8192xi32, #tpu.memory_space<vmem>> -> memref<1x8192xi32, #tpu.memory_space<vmem>>
        %dma_start3A_231 = tpu.memref_squeeze %dma_start3A_230 : memref<1x8192xi32, #tpu.memory_space<vmem>> -> memref<8192xi32, #tpu.memory_space<vmem>>
        %dma_start3A_232 = tpu.memref_slice %arg2[%add3A_223] : memref<2097152xi32, #tpu.memory_space<hbm>> -> memref<8192xi32, #tpu.memory_space<hbm>>
        tpu.enqueue_dma source(%dma_start3A_232 : memref<8192xi32, #tpu.memory_space<hbm>>) target(%dma_start3A_231 : memref<8192xi32, #tpu.memory_space<vmem>>) target_semaphore(%arg10 : memref<!tpu.dma_semaphore, #tpu.memory_space<semaphore_mem>>)
        %dma_start3A_233 = arith.constant 0 : i32
        %dma_start3A_234 = arith.constant 0 : i32
        %dma_start3A_235 = tpu.memref_slice %arg8[%dma_start3A_233, %dma_start3A_234] : memref<2x8192xi32, #tpu.memory_space<vmem>> -> memref<1x8192xi32, #tpu.memory_space<vmem>>
        %dma_start3A_236 = tpu.memref_squeeze %dma_start3A_235 : memref<1x8192xi32, #tpu.memory_space<vmem>> -> memref<8192xi32, #tpu.memory_space<vmem>>
        %dma_start3A_237 = tpu.memref_slice %arg3[%add3A_223] : memref<2097152xi32, #tpu.memory_space<hbm>> -> memref<8192xi32, #tpu.memory_space<hbm>>
        %dma_start3A_238 = arith.constant 0 : i32
        %dma_start3A_239 = tpu.memref_slice %arg8[%dma_start3A_233, %dma_start3A_238] : memref<2x8192xi32, #tpu.memory_space<vmem>> -> memref<1x8192xi32, #tpu.memory_space<vmem>>
        %dma_start3A_240 = tpu.memref_squeeze %dma_start3A_239 : memref<1x8192xi32, #tpu.memory_space<vmem>> -> memref<8192xi32, #tpu.memory_space<vmem>>
        %dma_start3A_241 = tpu.memref_slice %arg3[%add3A_223] : memref<2097152xi32, #tpu.memory_space<hbm>> -> memref<8192xi32, #tpu.memory_space<hbm>>
        tpu.enqueue_dma source(%dma_start3A_241 : memref<8192xi32, #tpu.memory_space<hbm>>) target(%dma_start3A_240 : memref<8192xi32, #tpu.memory_space<vmem>>) target_semaphore(%arg10 : memref<!tpu.dma_semaphore, #tpu.memory_space<semaphore_mem>>)
      } else {
      }
      %add3A_154 = arith.constant 1 : i32
      %add3A_155 = arith.addi %mul3A_96, %add3A_154 : i32
      %dma_wait3A_156 = arith.constant 1 : i32
      %dma_wait3A_157 = arith.constant 0 : i32
      %dma_wait3A_158 = tpu.memref_slice %arg6[%dma_wait3A_156, %dma_wait3A_157] : memref<2x8192xi32, #tpu.memory_space<vmem>> -> memref<1x8192xi32, #tpu.memory_space<vmem>>
      %dma_wait3A_159 = tpu.memref_squeeze %dma_wait3A_158 : memref<1x8192xi32, #tpu.memory_space<vmem>> -> memref<8192xi32, #tpu.memory_space<vmem>>
      %dma_wait3A_160 = arith.constant 0 : i32
      %dma_wait3A_161 = tpu.memref_slice %arg2[%dma_wait3A_160] : memref<2097152xi32, #tpu.memory_space<hbm>> -> memref<8192xi32, #tpu.memory_space<hbm>>
      %dma_wait3A_162 = arith.constant 0 : i32
      %dma_wait3A_163 = tpu.memref_slice %arg6[%dma_wait3A_156, %dma_wait3A_162] : memref<2x8192xi32, #tpu.memory_space<vmem>> -> memref<1x8192xi32, #tpu.memory_space<vmem>>
      %dma_wait3A_164 = tpu.memref_squeeze %dma_wait3A_163 : memref<1x8192xi32, #tpu.memory_space<vmem>> -> memref<8192xi32, #tpu.memory_space<vmem>>
      %dma_wait3A_165 = arith.constant 0 : i32
      %dma_wait3A_166 = tpu.memref_slice %arg2[%dma_wait3A_165] : memref<2097152xi32, #tpu.memory_space<hbm>> -> memref<8192xi32, #tpu.memory_space<hbm>>
      tpu.wait_dma2 semaphore(%arg11 : memref<!tpu.dma_semaphore, #tpu.memory_space<semaphore_mem>>) src(%dma_wait3A_166 : memref<8192xi32, #tpu.memory_space<hbm>>) dst(%dma_wait3A_164 : memref<8192xi32, #tpu.memory_space<vmem>>)
      %dma_wait3A_167 = arith.constant 1 : i32
      %dma_wait3A_168 = arith.constant 0 : i32
      %dma_wait3A_169 = tpu.memref_slice %arg8[%dma_wait3A_167, %dma_wait3A_168] : memref<2x8192xi32, #tpu.memory_space<vmem>> -> memref<1x8192xi32, #tpu.memory_space<vmem>>
      %dma_wait3A_170 = tpu.memref_squeeze %dma_wait3A_169 : memref<1x8192xi32, #tpu.memory_space<vmem>> -> memref<8192xi32, #tpu.memory_space<vmem>>
      %dma_wait3A_171 = arith.constant 0 : i32
      %dma_wait3A_172 = tpu.memref_slice %arg3[%dma_wait3A_171] : memref<2097152xi32, #tpu.memory_space<hbm>> -> memref<8192xi32, #tpu.memory_space<hbm>>
      %dma_wait3A_173 = arith.constant 0 : i32
      %dma_wait3A_174 = tpu.memref_slice %arg8[%dma_wait3A_167, %dma_wait3A_173] : memref<2x8192xi32, #tpu.memory_space<vmem>> -> memref<1x8192xi32, #tpu.memory_space<vmem>>
      %dma_wait3A_175 = tpu.memref_squeeze %dma_wait3A_174 : memref<1x8192xi32, #tpu.memory_space<vmem>> -> memref<8192xi32, #tpu.memory_space<vmem>>
      %dma_wait3A_176 = arith.constant 0 : i32
      %dma_wait3A_177 = tpu.memref_slice %arg3[%dma_wait3A_176] : memref<2097152xi32, #tpu.memory_space<hbm>> -> memref<8192xi32, #tpu.memory_space<hbm>>
      tpu.wait_dma2 semaphore(%arg11 : memref<!tpu.dma_semaphore, #tpu.memory_space<semaphore_mem>>) src(%dma_wait3A_177 : memref<8192xi32, #tpu.memory_space<hbm>>) dst(%dma_wait3A_175 : memref<8192xi32, #tpu.memory_space<vmem>>)
      %ge3A_178 = arith.constant 2 : i32
      %ge3A_179 = arith.cmpi sge, %add3A_155, %ge3A_178 : i32
      %convert_element_type3A_180 = arith.extui %ge3A_179 : i1 to i32
      %cond3A_181 = arith.constant 0 : i32
      %cond3A_182 = arith.cmpi ne, %convert_element_type3A_180, %cond3A_181 : i32
      scf.if %cond3A_182 {
        %dma_wait3A_217 = arith.constant 1 : i32
        %dma_wait3A_218 = arith.constant 0 : i32
        %dma_wait3A_219 = tpu.memref_slice %arg7[%dma_wait3A_217, %dma_wait3A_218] : memref<2x8192xi32, #tpu.memory_space<vmem>> -> memref<1x8192xi32, #tpu.memory_space<vmem>>
        %dma_wait3A_220 = tpu.memref_squeeze %dma_wait3A_219 : memref<1x8192xi32, #tpu.memory_space<vmem>> -> memref<8192xi32, #tpu.memory_space<vmem>>
        %dma_wait3A_221 = arith.constant 0 : i32
        %dma_wait3A_222 = tpu.memref_slice %arg4[%dma_wait3A_221] : memref<2097152xi32, #tpu.memory_space<hbm>> -> memref<8192xi32, #tpu.memory_space<hbm>>
        %dma_wait3A_223 = arith.constant 0 : i32
        %dma_wait3A_224 = tpu.memref_slice %arg4[%dma_wait3A_223] : memref<2097152xi32, #tpu.memory_space<hbm>> -> memref<8192xi32, #tpu.memory_space<hbm>>
        %dma_wait3A_225 = arith.constant 0 : i32
        %dma_wait3A_226 = tpu.memref_slice %arg7[%dma_wait3A_217, %dma_wait3A_225] : memref<2x8192xi32, #tpu.memory_space<vmem>> -> memref<1x8192xi32, #tpu.memory_space<vmem>>
        %dma_wait3A_227 = tpu.memref_squeeze %dma_wait3A_226 : memref<1x8192xi32, #tpu.memory_space<vmem>> -> memref<8192xi32, #tpu.memory_space<vmem>>
        tpu.wait_dma2 semaphore(%arg13 : memref<!tpu.dma_semaphore, #tpu.memory_space<semaphore_mem>>) src(%dma_wait3A_227 : memref<8192xi32, #tpu.memory_space<vmem>>) dst(%dma_wait3A_224 : memref<8192xi32, #tpu.memory_space<hbm>>)
        %dma_wait3A_228 = arith.constant 1 : i32
        %dma_wait3A_229 = arith.constant 0 : i32
        %dma_wait3A_230 = tpu.memref_slice %arg9[%dma_wait3A_228, %dma_wait3A_229] : memref<2x8192xi32, #tpu.memory_space<vmem>> -> memref<1x8192xi32, #tpu.memory_space<vmem>>
        %dma_wait3A_231 = tpu.memref_squeeze %dma_wait3A_230 : memref<1x8192xi32, #tpu.memory_space<vmem>> -> memref<8192xi32, #tpu.memory_space<vmem>>
        %dma_wait3A_232 = arith.constant 0 : i32
        %dma_wait3A_233 = tpu.memref_slice %arg5[%dma_wait3A_232] : memref<2097152xi32, #tpu.memory_space<hbm>> -> memref<8192xi32, #tpu.memory_space<hbm>>
        %dma_wait3A_234 = arith.constant 0 : i32
        %dma_wait3A_235 = tpu.memref_slice %arg5[%dma_wait3A_234] : memref<2097152xi32, #tpu.memory_space<hbm>> -> memref<8192xi32, #tpu.memory_space<hbm>>
        %dma_wait3A_236 = arith.constant 0 : i32
        %dma_wait3A_237 = tpu.memref_slice %arg9[%dma_wait3A_228, %dma_wait3A_236] : memref<2x8192xi32, #tpu.memory_space<vmem>> -> memref<1x8192xi32, #tpu.memory_space<vmem>>
        %dma_wait3A_238 = tpu.memref_squeeze %dma_wait3A_237 : memref<1x8192xi32, #tpu.memory_space<vmem>> -> memref<8192xi32, #tpu.memory_space<vmem>>
        tpu.wait_dma2 semaphore(%arg13 : memref<!tpu.dma_semaphore, #tpu.memory_space<semaphore_mem>>) src(%dma_wait3A_238 : memref<8192xi32, #tpu.memory_space<vmem>>) dst(%dma_wait3A_235 : memref<8192xi32, #tpu.memory_space<hbm>>)
      } else {
      }
      %parallel_loop3A_183 = arith.constant 0 : i32
      %parallel_loop3A_184 = arith.constant 512 : i32
      %parallel_loop3A_185 = arith.constant 1 : i32
      scf.for %parallel_loop3A_217 = %parallel_loop3A_183 to %parallel_loop3A_184 step %parallel_loop3A_185  : i32 {
        %parallel_loop3A_218 = arith.constant 16 : i32
        %parallel_loop3A_219 = arith.muli %parallel_loop3A_217, %parallel_loop3A_218 : i32
        %parallel_loop3A_220 = arith.constant 1 : i32
        %parallel_loop3A_221 = arith.index_cast %parallel_loop3A_220 : i32 to index
        %parallel_loop3A_222 = arith.index_cast %parallel_loop3A_219 : i32 to index
        %parallel_loop3A_223 = tpu.vector_load %arg6[%parallel_loop3A_221, %parallel_loop3A_222] {strides = array<i32>} : memref<2x8192xi32, #tpu.memory_space<vmem>>, vector<16xi32>,
        %parallel_loop3A_224 = arith.constant 5 : i32
        %parallel_loop3A_225 = vector.broadcast %parallel_loop3A_224 : i32 to vector<16xi32>
        %parallel_loop3A_226 = arith.constant 0 : i32
        %parallel_loop3A_227 = vector.broadcast %parallel_loop3A_226 : i32 to vector<16xi32>
        %parallel_loop3A_228 = arith.constant 5 : i32
        %parallel_loop3A_229 = vector.broadcast %parallel_loop3A_228 : i32 to vector<16xi32>
        %parallel_loop3A_230 = arith.cmpi slt, %parallel_loop3A_223, %parallel_loop3A_229 : vector<16xi32>
        %parallel_loop3A_231 = arith.constant 18 : i32
        %parallel_loop3A_232 = vector.broadcast %parallel_loop3A_231 : i32 to vector<16xi32>
        %parallel_loop3A_233 = arith.cmpi eq, %parallel_loop3A_223, %parallel_loop3A_232 : vector<16xi32>
        %parallel_loop3A_234 = arith.select %parallel_loop3A_233, %parallel_loop3A_225, %parallel_loop3A_227 : vector<16xi1>, vector<16xi32>
        %parallel_loop3A_235 = arith.select %parallel_loop3A_230, %parallel_loop3A_223, %parallel_loop3A_234 : vector<16xi1>, vector<16xi32>
        %parallel_loop3A_236 = arith.constant 1 : i32
        %parallel_loop3A_237 = arith.index_cast %parallel_loop3A_236 : i32 to index
        %parallel_loop3A_238 = arith.index_cast %parallel_loop3A_219 : i32 to index
        %parallel_loop3A_239 = tpu.vector_load %arg7[%parallel_loop3A_237, %parallel_loop3A_238] {strides = array<i32>} : memref<2x8192xi32, #tpu.memory_space<vmem>>, vector<16xi32>,
        tpu.vector_store %arg7[%parallel_loop3A_237, %parallel_loop3A_238], %parallel_loop3A_235 {strides = array<i32>} : memref<2x8192xi32, #tpu.memory_space<vmem>>, vector<16xi32>,
        %parallel_loop3A_240 = arith.constant 1 : i32
        %parallel_loop3A_241 = arith.index_cast %parallel_loop3A_240 : i32 to index
        %parallel_loop3A_242 = arith.index_cast %parallel_loop3A_219 : i32 to index
        %parallel_loop3A_243 = tpu.vector_load %arg8[%parallel_loop3A_241, %parallel_loop3A_242] {strides = array<i32>} : memref<2x8192xi32, #tpu.memory_space<vmem>>, vector<16xi32>,
        %parallel_loop3A_244 = arith.constant 1 : i32
        %parallel_loop3A_245 = arith.index_cast %parallel_loop3A_244 : i32 to index
        %parallel_loop3A_246 = arith.index_cast %parallel_loop3A_219 : i32 to index
        %parallel_loop3A_247 = tpu.vector_load %arg9[%parallel_loop3A_245, %parallel_loop3A_246] {strides = array<i32>} : memref<2x8192xi32, #tpu.memory_space<vmem>>, vector<16xi32>,
        tpu.vector_store %arg9[%parallel_loop3A_245, %parallel_loop3A_246], %parallel_loop3A_243 {strides = array<i32>} : memref<2x8192xi32, #tpu.memory_space<vmem>>, vector<16xi32>,
      } {sc.loop_unroll_factor = 4 : i64, sc.parallel_access}
      %mul3A_186 = arith.constant 65536 : i32
      %mul3A_187 = arith.muli %add3A, %mul3A_186 : i32
      %mul3A_188 = arith.constant 8192 : i32
      %mul3A_189 = arith.muli %add3A_155, %mul3A_188 : i32
      %add3A_190 = arith.addi %mul3A_187, %mul3A_189 : i32
      %dma_start3A_191 = arith.constant 1 : i32
      %dma_start3A_192 = arith.constant 0 : i32
      %dma_start3A_193 = tpu.memref_slice %arg7[%dma_start3A_191, %dma_start3A_192] : memref<2x8192xi32, #tpu.memory_space<vmem>> -> memref<1x8192xi32, #tpu.memory_space<vmem>>
      %dma_start3A_194 = tpu.memref_squeeze %dma_start3A_193 : memref<1x8192xi32, #tpu.memory_space<vmem>> -> memref<8192xi32, #tpu.memory_space<vmem>>
      %dma_start3A_195 = tpu.memref_slice %arg4[%add3A_190] : memref<2097152xi32, #tpu.memory_space<hbm>> -> memref<8192xi32, #tpu.memory_space<hbm>>
      %dma_start3A_196 = tpu.memref_slice %arg4[%add3A_190] : memref<2097152xi32, #tpu.memory_space<hbm>> -> memref<8192xi32, #tpu.memory_space<hbm>>
      %dma_start3A_197 = arith.constant 0 : i32
      %dma_start3A_198 = tpu.memref_slice %arg7[%dma_start3A_191, %dma_start3A_197] : memref<2x8192xi32, #tpu.memory_space<vmem>> -> memref<1x8192xi32, #tpu.memory_space<vmem>>
      %dma_start3A_199 = tpu.memref_squeeze %dma_start3A_198 : memref<1x8192xi32, #tpu.memory_space<vmem>> -> memref<8192xi32, #tpu.memory_space<vmem>>
      tpu.enqueue_dma source(%dma_start3A_199 : memref<8192xi32, #tpu.memory_space<vmem>>) target(%dma_start3A_196 : memref<8192xi32, #tpu.memory_space<hbm>>) target_semaphore(%arg13 : memref<!tpu.dma_semaphore, #tpu.memory_space<semaphore_mem>>)
      %dma_start3A_200 = arith.constant 1 : i32
      %dma_start3A_201 = arith.constant 0 : i32
      %dma_start3A_202 = tpu.memref_slice %arg9[%dma_start3A_200, %dma_start3A_201] : memref<2x8192xi32, #tpu.memory_space<vmem>> -> memref<1x8192xi32, #tpu.memory_space<vmem>>
      %dma_start3A_203 = tpu.memref_squeeze %dma_start3A_202 : memref<1x8192xi32, #tpu.memory_space<vmem>> -> memref<8192xi32, #tpu.memory_space<vmem>>
      %dma_start3A_204 = tpu.memref_slice %arg5[%add3A_190] : memref<2097152xi32, #tpu.memory_space<hbm>> -> memref<8192xi32, #tpu.memory_space<hbm>>
      %dma_start3A_205 = tpu.memref_slice %arg5[%add3A_190] : memref<2097152xi32, #tpu.memory_space<hbm>> -> memref<8192xi32, #tpu.memory_space<hbm>>
      %dma_start3A_206 = arith.constant 0 : i32
      %dma_start3A_207 = tpu.memref_slice %arg9[%dma_start3A_200, %dma_start3A_206] : memref<2x8192xi32, #tpu.memory_space<vmem>> -> memref<1x8192xi32, #tpu.memory_space<vmem>>
      %dma_start3A_208 = tpu.memref_squeeze %dma_start3A_207 : memref<1x8192xi32, #tpu.memory_space<vmem>> -> memref<8192xi32, #tpu.memory_space<vmem>>
      tpu.enqueue_dma source(%dma_start3A_208 : memref<8192xi32, #tpu.memory_space<vmem>>) target(%dma_start3A_205 : memref<8192xi32, #tpu.memory_space<hbm>>) target_semaphore(%arg13 : memref<!tpu.dma_semaphore, #tpu.memory_space<semaphore_mem>>)
      %add3A_209 = arith.constant 2 : i32
      %add3A_210 = arith.addi %add3A_155, %add3A_209 : i32
      %lt3A_211 = arith.constant 8 : i32
      %lt3A_212 = arith.cmpi slt, %add3A_210, %lt3A_211 : i32
      %convert_element_type3A_213 = arith.extui %lt3A_212 : i1 to i32
      %cond3A_214 = arith.constant 0 : i32
      %cond3A_215 = arith.cmpi ne, %convert_element_type3A_213, %cond3A_214 : i32
      scf.if %cond3A_215 {
        %add3A_217 = arith.constant 2 : i32
        %add3A_218 = arith.addi %add3A_155, %add3A_217 : i32
        %mul3A_219 = arith.constant 65536 : i32
        %mul3A_220 = arith.muli %add3A, %mul3A_219 : i32
        %mul3A_221 = arith.constant 8192 : i32
        %mul3A_222 = arith.muli %add3A_218, %mul3A_221 : i32
        %add3A_223 = arith.addi %mul3A_220, %mul3A_222 : i32
        %dma_start3A_224 = arith.constant 1 : i32
        %dma_start3A_225 = arith.constant 0 : i32
        %dma_start3A_226 = tpu.memref_slice %arg6[%dma_start3A_224, %dma_start3A_225] : memref<2x8192xi32, #tpu.memory_space<vmem>> -> memref<1x8192xi32, #tpu.memory_space<vmem>>
        %dma_start3A_227 = tpu.memref_squeeze %dma_start3A_226 : memref<1x8192xi32, #tpu.memory_space<vmem>> -> memref<8192xi32, #tpu.memory_space<vmem>>
        %dma_start3A_228 = tpu.memref_slice %arg2[%add3A_223] : memref<2097152xi32, #tpu.memory_space<hbm>> -> memref<8192xi32, #tpu.memory_space<hbm>>
        %dma_start3A_229 = arith.constant 0 : i32
        %dma_start3A_230 = tpu.memref_slice %arg6[%dma_start3A_224, %dma_start3A_229] : memref<2x8192xi32, #tpu.memory_space<vmem>> -> memref<1x8192xi32, #tpu.memory_space<vmem>>
        %dma_start3A_231 = tpu.memref_squeeze %dma_start3A_230 : memref<1x8192xi32, #tpu.memory_space<vmem>> -> memref<8192xi32, #tpu.memory_space<vmem>>
        %dma_start3A_232 = tpu.memref_slice %arg2[%add3A_223] : memref<2097152xi32, #tpu.memory_space<hbm>> -> memref<8192xi32, #tpu.memory_space<hbm>>
        tpu.enqueue_dma source(%dma_start3A_232 : memref<8192xi32, #tpu.memory_space<hbm>>) target(%dma_start3A_231 : memref<8192xi32, #tpu.memory_space<vmem>>) target_semaphore(%arg11 : memref<!tpu.dma_semaphore, #tpu.memory_space<semaphore_mem>>)
        %dma_start3A_233 = arith.constant 1 : i32
        %dma_start3A_234 = arith.constant 0 : i32
        %dma_start3A_235 = tpu.memref_slice %arg8[%dma_start3A_233, %dma_start3A_234] : memref<2x8192xi32, #tpu.memory_space<vmem>> -> memref<1x8192xi32, #tpu.memory_space<vmem>>
        %dma_start3A_236 = tpu.memref_squeeze %dma_start3A_235 : memref<1x8192xi32, #tpu.memory_space<vmem>> -> memref<8192xi32, #tpu.memory_space<vmem>>
        %dma_start3A_237 = tpu.memref_slice %arg3[%add3A_223] : memref<2097152xi32, #tpu.memory_space<hbm>> -> memref<8192xi32, #tpu.memory_space<hbm>>
        %dma_start3A_238 = arith.constant 0 : i32
        %dma_start3A_239 = tpu.memref_slice %arg8[%dma_start3A_233, %dma_start3A_238] : memref<2x8192xi32, #tpu.memory_space<vmem>> -> memref<1x8192xi32, #tpu.memory_space<vmem>>
        %dma_start3A_240 = tpu.memref_squeeze %dma_start3A_239 : memref<1x8192xi32, #tpu.memory_space<vmem>> -> memref<8192xi32, #tpu.memory_space<vmem>>
        %dma_start3A_241 = tpu.memref_slice %arg3[%add3A_223] : memref<2097152xi32, #tpu.memory_space<hbm>> -> memref<8192xi32, #tpu.memory_space<hbm>>
        tpu.enqueue_dma source(%dma_start3A_241 : memref<8192xi32, #tpu.memory_space<hbm>>) target(%dma_start3A_240 : memref<8192xi32, #tpu.memory_space<vmem>>) target_semaphore(%arg11 : memref<!tpu.dma_semaphore, #tpu.memory_space<semaphore_mem>>)
      } else {
      }
      %scan3A_216 = arith.constant 0 : i32
      scf.yield %scan3A_216 : i32
    }
    %scan3A_49 = arith.constant 4 : i32
    %dma_wait3A = arith.constant 0 : i32
    %dma_wait3A_50 = arith.constant 0 : i32
    %dma_wait3A_51 = tpu.memref_slice %arg7[%dma_wait3A, %dma_wait3A_50] : memref<2x8192xi32, #tpu.memory_space<vmem>> -> memref<1x8192xi32, #tpu.memory_space<vmem>>
    %dma_wait3A_52 = tpu.memref_squeeze %dma_wait3A_51 : memref<1x8192xi32, #tpu.memory_space<vmem>> -> memref<8192xi32, #tpu.memory_space<vmem>>
    %dma_wait3A_53 = arith.constant 0 : i32
    %dma_wait3A_54 = tpu.memref_slice %arg4[%dma_wait3A_53] : memref<2097152xi32, #tpu.memory_space<hbm>> -> memref<8192xi32, #tpu.memory_space<hbm>>
    %dma_wait3A_55 = arith.constant 0 : i32
    %dma_wait3A_56 = tpu.memref_slice %arg4[%dma_wait3A_55] : memref<2097152xi32, #tpu.memory_space<hbm>> -> memref<8192xi32, #tpu.memory_space<hbm>>
    %dma_wait3A_57 = arith.constant 0 : i32
    %dma_wait3A_58 = tpu.memref_slice %arg7[%dma_wait3A, %dma_wait3A_57] : memref<2x8192xi32, #tpu.memory_space<vmem>> -> memref<1x8192xi32, #tpu.memory_space<vmem>>
    %dma_wait3A_59 = tpu.memref_squeeze %dma_wait3A_58 : memref<1x8192xi32, #tpu.memory_space<vmem>> -> memref<8192xi32, #tpu.memory_space<vmem>>
    tpu.wait_dma2 semaphore(%arg12 : memref<!tpu.dma_semaphore, #tpu.memory_space<semaphore_mem>>) src(%dma_wait3A_59 : memref<8192xi32, #tpu.memory_space<vmem>>) dst(%dma_wait3A_56 : memref<8192xi32, #tpu.memory_space<hbm>>)
    %dma_wait3A_60 = arith.constant 0 : i32
    %dma_wait3A_61 = arith.constant 0 : i32
    %dma_wait3A_62 = tpu.memref_slice %arg9[%dma_wait3A_60, %dma_wait3A_61] : memref<2x8192xi32, #tpu.memory_space<vmem>> -> memref<1x8192xi32, #tpu.memory_space<vmem>>
    %dma_wait3A_63 = tpu.memref_squeeze %dma_wait3A_62 : memref<1x8192xi32, #tpu.memory_space<vmem>> -> memref<8192xi32, #tpu.memory_space<vmem>>
    %dma_wait3A_64 = arith.constant 0 : i32
    %dma_wait3A_65 = tpu.memref_slice %arg5[%dma_wait3A_64] : memref<2097152xi32, #tpu.memory_space<hbm>> -> memref<8192xi32, #tpu.memory_space<hbm>>
    %dma_wait3A_66 = arith.constant 0 : i32
    %dma_wait3A_67 = tpu.memref_slice %arg5[%dma_wait3A_66] : memref<2097152xi32, #tpu.memory_space<hbm>> -> memref<8192xi32, #tpu.memory_space<hbm>>
    %dma_wait3A_68 = arith.constant 0 : i32
    %dma_wait3A_69 = tpu.memref_slice %arg9[%dma_wait3A_60, %dma_wait3A_68] : memref<2x8192xi32, #tpu.memory_space<vmem>> -> memref<1x8192xi32, #tpu.memory_space<vmem>>
    %dma_wait3A_70 = tpu.memref_squeeze %dma_wait3A_69 : memref<1x8192xi32, #tpu.memory_space<vmem>> -> memref<8192xi32, #tpu.memory_space<vmem>>
    tpu.wait_dma2 semaphore(%arg12 : memref<!tpu.dma_semaphore, #tpu.memory_space<semaphore_mem>>) src(%dma_wait3A_70 : memref<8192xi32, #tpu.memory_space<vmem>>) dst(%dma_wait3A_67 : memref<8192xi32, #tpu.memory_space<hbm>>)
    %dma_wait3A_71 = arith.constant 1 : i32
    %dma_wait3A_72 = arith.constant 0 : i32
    %dma_wait3A_73 = tpu.memref_slice %arg7[%dma_wait3A_71, %dma_wait3A_72] : memref<2x8192xi32, #tpu.memory_space<vmem>> -> memref<1x8192xi32, #tpu.memory_space<vmem>>
    %dma_wait3A_74 = tpu.memref_squeeze %dma_wait3A_73 : memref<1x8192xi32, #tpu.memory_space<vmem>> -> memref<8192xi32, #tpu.memory_space<vmem>>
    %dma_wait3A_75 = arith.constant 0 : i32
    %dma_wait3A_76 = tpu.memref_slice %arg4[%dma_wait3A_75] : memref<2097152xi32, #tpu.memory_space<hbm>> -> memref<8192xi32, #tpu.memory_space<hbm>>
    %dma_wait3A_77 = arith.constant 0 : i32
    %dma_wait3A_78 = tpu.memref_slice %arg4[%dma_wait3A_77] : memref<2097152xi32, #tpu.memory_space<hbm>> -> memref<8192xi32, #tpu.memory_space<hbm>>
    %dma_wait3A_79 = arith.constant 0 : i32
    %dma_wait3A_80 = tpu.memref_slice %arg7[%dma_wait3A_71, %dma_wait3A_79] : memref<2x8192xi32, #tpu.memory_space<vmem>> -> memref<1x8192xi32, #tpu.memory_space<vmem>>
    %dma_wait3A_81 = tpu.memref_squeeze %dma_wait3A_80 : memref<1x8192xi32, #tpu.memory_space<vmem>> -> memref<8192xi32, #tpu.memory_space<vmem>>
    tpu.wait_dma2 semaphore(%arg13 : memref<!tpu.dma_semaphore, #tpu.memory_space<semaphore_mem>>) src(%dma_wait3A_81 : memref<8192xi32, #tpu.memory_space<vmem>>) dst(%dma_wait3A_78 : memref<8192xi32, #tpu.memory_space<hbm>>)
    %dma_wait3A_82 = arith.constant 1 : i32
    %dma_wait3A_83 = arith.constant 0 : i32
    %dma_wait3A_84 = tpu.memref_slice %arg9[%dma_wait3A_82, %dma_wait3A_83] : memref<2x8192xi32, #tpu.memory_space<vmem>> -> memref<1x8192xi32, #tpu.memory_space<vmem>>
    %dma_wait3A_85 = tpu.memref_squeeze %dma_wait3A_84 : memref<1x8192xi32, #tpu.memory_space<vmem>> -> memref<8192xi32, #tpu.memory_space<vmem>>
    %dma_wait3A_86 = arith.constant 0 : i32
    %dma_wait3A_87 = tpu.memref_slice %arg5[%dma_wait3A_86] : memref<2097152xi32, #tpu.memory_space<hbm>> -> memref<8192xi32, #tpu.memory_space<hbm>>
    %dma_wait3A_88 = arith.constant 0 : i32
    %dma_wait3A_89 = tpu.memref_slice %arg5[%dma_wait3A_88] : memref<2097152xi32, #tpu.memory_space<hbm>> -> memref<8192xi32, #tpu.memory_space<hbm>>
    %dma_wait3A_90 = arith.constant 0 : i32
    %dma_wait3A_91 = tpu.memref_slice %arg9[%dma_wait3A_82, %dma_wait3A_90] : memref<2x8192xi32, #tpu.memory_space<vmem>> -> memref<1x8192xi32, #tpu.memory_space<vmem>>
    %dma_wait3A_92 = tpu.memref_squeeze %dma_wait3A_91 : memref<1x8192xi32, #tpu.memory_space<vmem>> -> memref<8192xi32, #tpu.memory_space<vmem>>
    tpu.wait_dma2 semaphore(%arg13 : memref<!tpu.dma_semaphore, #tpu.memory_space<semaphore_mem>>) src(%dma_wait3A_92 : memref<8192xi32, #tpu.memory_space<vmem>>) dst(%dma_wait3A_89 : memref<8192xi32, #tpu.memory_space<hbm>>)
    return
  }
}

</mosaic_0001>

<sc_bundles>
// kernel: _run_sc.3.cloned.1.call-start
scs
__scs_entry_jumppad:
0x0: {  	(pc) =	sbr.rel $0x88, $3  }
0x1: {  	(tag) =	ssettag $0x0;
	lr =	simm.s32 $0x1  }
0x2: {  	[smem:$0x3F9F] =	sst lr;
	_ =	strace $0xD0000000  }
0x3: {  	_ = 	snop  }
0x4: {  	_ = 	snop  }
0x5: {  	_ = 	snop  }
0x6: {  	_ = 	snop  }
0x7: {  	_ = 	snop  }
__scs_overlays_trampoline_lowered:
0x8: {  	[smem:$0x3FAE] =	sst s0  }
0x9: {  	[smem:$0x3FAF] =	sst s1  }
0xa: {  	[smem:$0x3FB0] =	sst s2  }
0xb: {  	[smem:$0x3FB1] =	sst s3  }
0xc: {  	[smem:$0x3FB2] =	sst s4  }
0xd: {  	[smem:$0x3FB3] =	sst s5  }
0xe: {  	[smem:$0x3FB4] =	sst s6  }
0xf: {  	[smem:$0x3FB5] =	sst s7  }
0x10: {  	[smem:$0x3FB6] =	sst s8  }
0x11: {  	[smem:$0x3FB7] =	sst s9;
	s0 =	simm.s32 @!p0 $0x0  }
0x12: {  	s1 =	sld [smem:$0x3F9D];
	s0 =	simm.s32 @p0 $0x1  }
0x13: {  	[smem:$0x3FB8] =	sst s0;
	s0 =	simm.s32 @!p1 $0x0  }
0x14: {  	s2 =	sld [smem:$0x3F9C];
	s0 =	simm.s32 @p1 $0x1  }
0x15: {  	[smem:$0x3FB9] =	sst s0;
	s0 =	simm.s32 @!p2 $0x0  }
0x16: {  	s3 =	sld [smem:$0x3FDB];
	s0 =	simm.s32 @p2 $0x1  }
0x17: {  	s4 =	simm.s32 $0x1BF5;
	[smem:$0x3FBB] =	sst s0  }
0x18: {  	s0 =	sld [smem:$0x3F9E];
	_ =	swait.ge [sflag:s4], $0x0  }
0x19: {  	s7 =	sld [smem:$0x3F9F]  }
0x1a: {  	s8 =	sadd.s32 $0xFFFFE003, lr  }
0x1b: {  	s9 =	sadd.s32 $0xFFFFFEF7, lr;
	s5 =	simm.s32 $0xFFFFFFFF;
	p2 =	slt.u32 s8, $0xFFFFF086  }
0x1c: {  	p1 =	slt.u32 s9, $0xF7A;
	s5 =	simm.s32 @!p2 $0x0  }
0x1d: {  	s5 =	simm.s32 @p1 $0x1;
	p0 =	seq.s32 s7, s2  }
0x1e: {  	s7 =	smul.u32 @!p0 $0xF7A, s2;
	p2 =	seq.s32 @!p0 s5, $0x0  }
0x1f: {  	s9 =	smul.u32 $0xF7A, s1;
	s8 =	simm.s32 @!p0 $0x1BF5;
	p2 =	por !p2, p0  }
0x20: {  	[sflag:s8] =	ssyncset.s32 @!p0 $0xFFFFF086;
	s6 =	sadd.s32 @!p0 s3, s7;
	s7 =	simm.s32 @!p0 $0x108  }
0x21: {  	s3 =	sadd.s32 s3, s9;
	s6 =	sadd.s32 @!p0 $0x88, s6;
	s7 =	simm.s32 @p2 $0x1082  }
0x22: {  	[simem:s7], [sflag:s8] =	dma.local @!p0 [hbm:s6], $0xF7A  }
0x23: {  	s9 =	sor.u32 $0xD0000000, s2;
	s6 =	simm.s32 $0x108;
	_ =	swait.ge @!p0 [sflag:s8], $0x0  }
0x24: {  	s3 =	sadd.s32 $0x88, s3;
	s6 =	simm.s32 @!p1 $0x1082;
	[sflag:s4] =	ssyncset.s32 $0xFFFFF086  }
0x25: {  	[simem:s6], [sflag:s4] =	dma.local [hbm:s3], $0xF7A  }
0x26: {  	[smem:$0x3F9F] =	sst s1;
	(tag) =	ssettag s2;
	_ =	strace s9  }
0x27: {  	s1 =	sld [smem:$0x3FAF]  }
0x28: {  	s2 =	sld [smem:$0x3FB0]  }
0x29: {  	s4 =	sld [smem:$0x3FB2]  }
0x2a: {  	p0 =	seq.s32 s5, $0x0;
	s5 =	sld [smem:$0x3FB3]  }
0x2b: {  	s6 =	sld [smem:$0x3FB4]  }
0x2c: {  	s7 =	sld [smem:$0x3FB5]  }
0x2d: {  	s3 =	simm.s32 $0x108;
	s8 =	sld [smem:$0x3FB6]  }
0x2e: {  	s3 =	simm.s32 @!p0 $0x1082;
	s9 =	sld [smem:$0x3FB7]  }
0x2f: {  	lr =	sadd.s32 s0, s3;
	s0 =	sld [smem:$0x3FAE]  }
0x30: {  	s3 =	sld [smem:$0x3FB1]  }
0x31: {  	[smem:$0x3FBA] =	sst s10  }
0x32: {  	s10 =	sld [smem:$0x3FB8];
	_ =	sdelay $0x3  }
0x33: {  	p0 =	seq.s32 s10, $0x1;
	s10 =	sld [smem:$0x3FBA];
	_ =	sdelay $0x3  }
0x34: {  	[smem:$0x3FBA] =	sst s10  }
0x35: {  	s10 =	sld [smem:$0x3FB9];
	_ =	sdelay $0x3  }
0x36: {  	p1 =	seq.s32 s10, $0x1;
	s10 =	sld [smem:$0x3FBA];
	_ =	sdelay $0x3  }
0x37: {  	[smem:$0x3FBA] =	sst s10  }
0x38: {  	s10 =	sld [smem:$0x3FBB]  }
0x39: {  	_ = 	snop;
	(pc) =	sbr.ind lr, $3  }
0x3a: {  	_ = 	snop  }
0x3b: {  	_ = 	snop  }
0x3c: {  	p2 =	seq.s32 s10, $0x1;
	s10 =	sld [smem:$0x3FBA]  }
0x3d: {  	_ =	shalt  }
0x3e: {  	_ =	shalt  }
0x3f: {  	_ =	shalt  }
0x40: {  	_ =	shalt  }
0x41: {  	_ =	shalt  }
0x42: {  	_ =	shalt  }
0x43: {  	_ =	shalt  }
0x44: {  	_ =	shalt  }
0x45: {  	_ =	shalt  }
0x46: {  	_ =	shalt  }
0x47: {  	_ =	shalt  }
0x48: {  	_ =	shalt  }
0x49: {  	_ =	shalt  }
0x4a: {  	_ =	shalt  }
0x4b: {  	_ =	shalt  }
0x4c: {  	_ =	shalt  }
0x4d: {  	_ =	shalt  }
0x4e: {  	_ =	shalt  }
0x4f: {  	_ =	shalt  }
0x50: {  	_ =	shalt  }
0x51: {  	_ =	shalt  }
0x52: {  	_ =	shalt  }
0x53: {  	_ =	shalt  }
0x54: {  	_ =	shalt  }
0x55: {  	_ =	shalt  }
0x56: {  	_ =	shalt  }
0x57: {  	_ =	shalt  }
0x58: {  	_ =	shalt  }
0x59: {  	_ =	shalt  }
0x5a: {  	_ =	shalt  }
0x5b: {  	_ =	shalt  }
0x5c: {  	_ =	shalt  }
0x5d: {  	_ =	shalt  }
0x5e: {  	_ =	shalt  }
0x5f: {  	_ =	shalt  }
0x60: {  	_ =	shalt  }
0x61: {  	_ =	shalt  }
0x62: {  	_ =	shalt  }
0x63: {  	_ =	shalt  }
0x64: {  	_ =	shalt  }
0x65: {  	_ =	shalt  }
0x66: {  	_ =	shalt  }
0x67: {  	_ =	shalt  }
0x68: {  	_ =	shalt  }
0x69: {  	_ =	shalt  }
0x6a: {  	_ =	shalt  }
0x6b: {  	_ =	shalt  }
0x6c: {  	_ =	shalt  }
0x6d: {  	_ =	shalt  }
0x6e: {  	_ =	shalt  }
0x6f: {  	_ =	shalt  }
0x70: {  	_ =	shalt  }
0x71: {  	_ =	shalt  }
0x72: {  	_ =	shalt  }
0x73: {  	_ =	shalt  }
0x74: {  	_ =	shalt  }
0x75: {  	_ =	shalt  }
0x76: {  	_ =	shalt  }
0x77: {  	_ =	shalt  }
0x78: {  	_ =	shalt  }
0x79: {  	_ =	shalt  }
0x7a: {  	_ =	shalt  }
0x7b: {  	_ =	shalt  }
0x7c: {  	_ =	shalt  }
0x7d: {  	_ =	shalt  }
0x7e: {  	_ =	shalt  }
0x7f: {  	_ =	shalt  }
0x80: {  	_ =	shalt  }
0x81: {  	_ =	shalt  }
0x82: {  	_ =	shalt  }
0x83: {  	_ =	shalt  }
0x84: {  	_ =	shalt  }
0x85: {  	_ =	shalt  }
0x86: {  	_ =	shalt  }
0x87: {  	_ =	shalt  }
.Lfunc_end0:
.L_simem_size_0:
called_computation_lowered:
.L_overlay_start_0:
0x88: {  	s2 =	sld [smem:$0x3FD9]  }
0x89: {  	s3 =	sld [smem:$0x3FFE];
	_ =	sdelay $0x1  }
0x8a: {  	s1 =	srdreg.scid  }
0x8b: {  	s0 =	sand.u32 $0x1, s1  }
0x8c: {  	s15 =	sshll.u32 s0, $0xA;
	s2 =	sadd.s32 s3, s2  }
0x8d: {  	s2 =	sadd.s32 s2, s15  }
0x8e: {  	[smem:$0x3FC6] =	sst s2  }
0x8f: {  	_ = 	snop  }
0x90: {  	s2 =	sld [smem:$0x3FD0];
	_ =	sdelay $0x1  }
0x91: {  	s16 =	sld [smem:$0x3FC9]  }
0x92: {  	s5 =	simm.s32 $0xA;
	s6 =	simm.s32 $0x10;
	s4 =	sld [smem:$0x3FC8]  }
0x93: {  	[smem:s6], [sflag:s5] =	dma.local [hbm:s2], $0x1  }
0x94: {  	_ =	swait.eq [sflag:s5], $0x1  }
0x95: {  	[sflag:s5] =	ssyncset.done $0x0  }
0x96: {  	s17 =	sld [smem:$0x10];
	[sflag:s5] =	ssyncadd.s32 $0xFFFFFFFF  }
0x97: {  	s18 =	sld [smem:$0x11];
	(tm) =	ssettm $0x1  }
0x98: {  	s19 =	sld [smem:$0x3FFB];
	_ =	sdelay $0x3  }
0x99: {  	_ =	strace s19  }
0x9a: {  	s6 =	sld [smem:$0x3FFC];
	_ =	sdelay $0x3  }
0x9b: {  	_ =	strace s6  }
0x9c: {  	s6 =	sld [smem:$0x3FFD];
	_ =	sdelay $0x3  }
0x9d: {  	_ =	strace s6  }
0x9e: {  	_ =	strace $0x8FFFFFFF  }
0x9f: {  	s20 =	sld [smem:$0x3FDB];
	_ =	sdelay $0x1  }
0xa0: {  	s7 =	simm.s32 $_scs_section_size  }
0xa1: {  	s8 =	simm.s32 $_size__tile_overlayer_lowered;
	s9 =	simm.s32 $_tile_overlayer_lowered  }
0xa2: {  	s23 =	simm.s32 $0x1BFF;
	s22 =	sshll.u32 s9, $0x1;
	s6 =	sadd.s32 s7, s20  }
0xa3: {  	s10 =	simm.s32 $0x0;
	s21 =	sshll.u32 s8, $0x1;
	s8 =	sadd.s32 s22, s6  }
0xa4: {  	[timem:s10], [sflag:s23] =	dma.local [hbm:s8], s21  }
0xa5: {  	_ =	swait.ge [sflag:s23], s21  }
0xa6: {  	s7 =	ssub.s32 $0x0, s21;
	[sflag:s23] =	ssyncset.done $0x0  }
0xa7: {  	[sflag:s23] =	ssyncadd.s32 s7;
	_ =	sdelay $0x1  }
0xa8: {  	s24 =	simm.s32 $0x1B8B  }
0xa9: {  	_ =	swait.ge [sflag:s24], $0x1  }
0xaa: {  	[sflag:s24] =	ssyncset.done $0x0  }
0xab: {  	s25 =	simm.s32 $0x1B8E;
	[sflag:s24] =	ssyncadd.s32 $0xFFFFFFFF  }
0xac: {  	s26 =	simm.s32 $execute0_lowered;
	[smem:$0x3FD2] =	sst s25  }
0xad: {  	s7 =	sshll.u32 s26, $0x1;
	_ =	strace $0x80000046;
	[dreg:$0x1] =	wrdreg $0xFFFFFFFF  }
0xae: {  	s28 =	simm.s32 $_size_execute0_lowered;
	s6 =	sadd.s32 s6, s7;
	[dreg:$0x0] =	wrdreg $0x0  }
0xaf: {  	s7 =	sshll.u32 s28, $0x1;
	[dreg:$0x2] =	wrdreg s6  }
0xb0: {  	[dreg:$0x3] =	wrdreg s7  }
0xb1: {  	[dreg:$0x4] =	wrdreg $0xC0  }
0xb2: {  	_ =	task [dreg:s10], $0x5FFFF  }
0xb3: {  	[dreg:$0x1] =	wrdreg $0xFFFFFFFF  }
0xb4: {  	[dreg:$0x0] =	wrdreg $0x60  }
0xb5: {  	[dreg:$0x2] =	wrdreg s16  }
0xb6: {  	[dreg:$0x3] =	wrdreg s4  }
0xb7: {  	[dreg:$0x4] =	wrdreg s17  }
0xb8: {  	[dreg:$0x5] =	wrdreg s18  }
0xb9: {  	[dreg:$0x6] =	wrdreg $0x9  }
0xba: {  	_ =	task.clear_ibuf [dreg:s10], $0x7FFFF;
	_ =	strace $0x90000046  }
0xbb: {  	s29 =	simm.s32 $0x9;
	_ =	strace $0x80000048  }
0xbc: {  	_ =	swait.ge [sflag:s29], $0x1  }
0xbd: {  	[sflag:s29] =	ssyncadd.s32 $0xFFFFFFFF  }
0xbe: {  	_ =	strace $0x90000048  }
0xbf: {  	_ =	sfence  }
0xc0: {  	s30 =	sld [smem:$0x0];
	_ =	sdelay $0x2  }
0xc1: {  	s31 =	sshll.u32 s1, $0xD;
	s1 =	sshrl.u32 s1, $0x2  }
0xc2: {  	s3 =	sand.u32 $0x4000, s31;
	s1 =	sadd.s32 s1, s30  }
0xc3: {  	s0 =	sor.u32 s3, s0;
	s1 =	sshll.u32 s1, $0x11  }
0xc4: {  	s0 =	sor.u32 s1, s0  }
0xc5: {  	s0 =	sadd.s32 $0x8F2B, s0  }
0xc6: {  	[sflag:s0] =	ssyncadd.remote.s32 $0x1  }
0xc7: {  	_ =	sfence.sel $0xFFFF  }
0xc8: {  	[dreg:$0x0] =	wrdreg $0xFFFFFFFF;
	(pc) =	sbr.abs _section_cstart, $3  }
0xc9: {  	[dreg:$0x1] =	wrdreg $0xFFFFFFFF  }
0xca: {  	_ =	task.clear_ibuf [dreg:s10], $0x2FFFF;
	_ =	strace $0x9FFFFFFF  }
0xcb: {  	(tm) =	ssettm $0x7FFFFFFF  }
tec
execute0_lowered:
.L_overlay_start_1:
0x0: {  	(tag) =	ssettag $0x1  }
0x1: {  	s0 =	rddreg [dreg:$0x0]  }
0x2: {  	s3 =	rddreg [dreg:$0x1]  }
0x3: {  	s4 =	rddreg [dreg:$0x2];
	s1 =	srdreg.scid  }
0x4: {  	s5 =	rddreg [dreg:$0x3];
	s2 =	stileid.u32;
	s6 =	simm.s32 $0x0  }
0x5: {  	s15 =	simm.s32 $0x1;
	s16 =	simm.s32 $0x2;
	s18 =	simm.s32 $0x4  }
0x6: {  	s19 =	simm.s32 $0x0;
	s1 =	sand.u32 $0x1, s1;
	s7 =	sshll.u32 s2, $0x11  }
0x7: {  	[smem:$0x7FF] =	sst s6;
	s8 =	sshll.u32 s1, $0x10;
	s1 =	ssub.s32 $0x2, s1  }
.Ltmp0:
0x8: {  	s7 =	sor.u32 s8, s7;
	s31 =	sshrl.u32 s1, $0x1;
	(pc) =	sbr.rel .LBB2_1-.Ltmp0, $4  }
0x9: {  	_ =	strace $0x80000047;
	s9 =	sshrl.u32 s7, $0x3;
	s1 =	ssub.s32 s1, s31  }
0xa: {  	s12 =	sor.u32 $0x4000, s7;
	s13 =	sor.u32 $0x6000, s7;
	s11 =	sor.u32 $0x400, s9  }
0xb: {  	s8 =	sadd.s32 s0, s9;
	s9 =	sadd.s32 s3, s9;
	s1 =	smax.u32 s1, $0x1  }
0xc: {  	v0 =	vimm.s32 $0x0;
	s10 =	sadd.s32 s0, s11;
	s11 =	sadd.s32 s3, s11;
	[dreg:$0x5] =	wrdreg s1  }
.LBB2_34:
0xd: {  	s1 =	simm.s32 $0x3  }
0xe: {  	_ =	swait.ge [sflag:s1], $0x2000  }
0xf: {  	[sflag:s1] =	ssyncset.done $0x0  }
0x10: {  	[sflag:s1] =	ssyncadd.s32 $0xFFFFE000  }
0x11: {  	_ =	swait.ge [sflag:s1], $0x2000  }
0x12: {  	[sflag:s1] =	ssyncset.done $0x0  }
0x13: {  	[sflag:s1] =	ssyncadd.s32 $0xFFFFE000  }
0x14: {  	_ =	swait.ge [sflag:s18], $0x2000  }
0x15: {  	[sflag:s18] =	ssyncset.done $0x0  }
0x16: {  	[sflag:s18] =	ssyncadd.s32 $0xFFFFE000  }
0x17: {  	_ =	swait.ge [sflag:s18], $0x2000  }
0x18: {  	s19 =	sadd.s32 $0x1, s19;
	s31 =	rddreg [dreg:$0x5]  }
0x19: {  	p0 =	sne.s32 s19, s31  }
.Ltmp1:
0x1a: {  	_ = 	snop;
	(pc) =	sbr.rel @!p0 .LBB2_35-.Ltmp1, $3  }
0x1b: {  	_ =	sdelay $0x1  }
0x1c: {  	[sflag:s18] =	ssyncset.done $0x0  }
0x1d: {  	[sflag:s18] =	ssyncadd.s32 $0xFFFFE000  }
.LBB2_1:
0x1e: {  	s1 =	simm.s32 $0x10  }
0x1f: {  	s22 =	sadd.s32 $0x0, s8;
	s20 =	simm.s32 $0x100;
	s21 =	simm.s32 $0x0  }
.LBB2_2:
0x20: {  	[tilespmem:s21], [sflag:$0x1] =	stream.linear.gather [hbm4b:s22+s6], $0x80, $0x38;
	[tilespmem:$0x10000] =	vst v63  }
0x21: {  	s22 =	smov.u32 s1;
	s21 =	smov.u32 s20;
	p0 =	sne.s32 s1, $0x3F0  }
.Ltmp2:
0x22: {  	s1 =	sadd.s32 $0x10, s1;
	(pc) =	sbr.rel @p0 .LBB2_2-.Ltmp2, $2  }
0x23: {  	_ =	sdelay $0x2  }
0x24: {  	s20 =	sadd.s32 $0x100, s20;
	s22 =	sadd.s32 s22, s8  }
0x25: {  	[tilespmem:s21], [sflag:$0x1] =	stream.linear.gather [hbm4b:s22+s6], $0x80, $0x38;
	[tilespmem:$0x10000] =	vst v63  }
0x26: {  	s1 =	simm.s32 $0x8000  }
0x27: {  	s20 =	simm.s32 $0x10;
	s22 =	sadd.s32 $0x0, s9;
	s21 =	simm.s32 $0x8100  }
.LBB2_4:
0x28: {  	[tilespmem:s1], [sflag:$0x1] =	stream.linear.gather [hbm4b:s22+s6], $0x80, $0x38;
	[tilespmem:$0x10000] =	vst v63  }
0x29: {  	s22 =	smov.u32 s20;
	s1 =	smov.u32 s21;
	p0 =	sne.s32 s20, $0x3F0  }
.Ltmp3:
0x2a: {  	s20 =	sadd.s32 $0x10, s20;
	(pc) =	sbr.rel @p0 .LBB2_4-.Ltmp3, $2  }
0x2b: {  	_ =	sdelay $0x2  }
0x2c: {  	s21 =	sadd.s32 $0x100, s21;
	s22 =	sadd.s32 s22, s9  }
0x2d: {  	[tilespmem:s1], [sflag:$0x1] =	stream.linear.gather [hbm4b:s22+s6], $0x80, $0x38;
	[tilespmem:$0x10000] =	vst v63  }
0x2e: {  	s1 =	simm.s32 $0x80  }
0x2f: {  	s20 =	simm.s32 $0x10;
	s22 =	sadd.s32 $0x0, s10;
	s21 =	simm.s32 $0x180  }
.LBB2_6:
0x30: {  	[tilespmem:s1], [sflag:$0x2] =	stream.linear.gather [hbm4b:s22+s6], $0x80, $0x38;
	[tilespmem:$0x10000] =	vst v63  }
0x31: {  	s22 =	smov.u32 s20;
	s1 =	smov.u32 s21;
	p0 =	sne.s32 s20, $0x3F0  }
.Ltmp4:
0x32: {  	s20 =	sadd.s32 $0x10, s20;
	(pc) =	sbr.rel @p0 .LBB2_6-.Ltmp4, $2  }
0x33: {  	_ =	sdelay $0x2  }
0x34: {  	s21 =	sadd.s32 $0x100, s21;
	s22 =	sadd.s32 s22, s10  }
0x35: {  	[tilespmem:s1], [sflag:$0x2] =	stream.linear.gather [hbm4b:s22+s6], $0x80, $0x38;
	[tilespmem:$0x10000] =	vst v63  }
0x36: {  	s20 =	simm.s32 $0x0;
	s1 =	simm.s32 $0x8080  }
0x37: {  	s21 =	simm.s32 $0x10;
	s23 =	sadd.s32 $0x0, s11;
	s22 =	simm.s32 $0x8180  }
.LBB2_8:
0x38: {  	[tilespmem:s1], [sflag:$0x2] =	stream.linear.gather [hbm4b:s23+s20], $0x80, $0x38;
	[tilespmem:$0x10000] =	vst v63  }
0x39: {  	s23 =	smov.u32 s21;
	s1 =	smov.u32 s22;
	p0 =	sne.s32 s21, $0x3F0  }
.Ltmp5:
0x3a: {  	s21 =	sadd.s32 $0x10, s21;
	(pc) =	sbr.rel @p0 .LBB2_8-.Ltmp5, $2  }
0x3b: {  	_ =	sdelay $0x2  }
0x3c: {  	s22 =	sadd.s32 $0x100, s22;
	s23 =	sadd.s32 s23, s11  }
0x3d: {  	[tilespmem:s1], [sflag:$0x2] =	stream.linear.gather [hbm4b:s23+s20], $0x80, $0x38;
	[tilespmem:$0x10000] =	vst v63  }
.LBB2_10:
0x3e: {  	_ =	swait.ge [sflag:s15], $0x2000  }
0x3f: {  	[sflag:s15] =	ssyncset.done $0x0  }
0x40: {  	[sflag:s15] =	ssyncadd.s32 $0xFFFFE000  }
0x41: {  	_ =	swait.ge [sflag:s15], $0x2000  }
0x42: {  	p1 =	seq.s32 s20, $0x0;
	[sflag:s15] =	ssyncset.done $0x0  }
0x43: {  	s1 =	simm.s32 @!p1 $0x3;
	[sflag:s15] =	ssyncadd.s32 $0xFFFFE000  }
0x44: {  	_ =	swait.ge @!p1 [sflag:s1], $0x2000  }
0x45: {  	[sflag:s1] =	ssyncset.done @!p1 $0x0  }
0x46: {  	[sflag:s1] =	ssyncadd.s32 @!p1 $0xFFFFE000  }
0x47: {  	s21 =	simm.s32 $0x0;
	_ =	swait.ge @!p1 [sflag:s1], $0x2000  }
0x48: {  	s22 =	sand.u32 $0x40, s21;
	s21 =	sand.u32 $0x3F00, s21;
	[sflag:s1] =	ssyncset.done @!p1 $0x0  }
0x49: {  	s22 =	sor.u32 s22, s21;
	[sflag:s1] =	ssyncadd.s32 @!p1 $0xFFFFE000  }
0x4a: {  	v1 =	vld [tilespmem:s22+$0x30]  }
0x4b: {  	v4 =	vld [tilespmem:s22+$0x0]  }
0x4c: {  	v7 =	vld [tilespmem:s22+$0x10]  }
0x4d: {  	v9 =	vld [tilespmem:s22+$0x8000]  }
0x4e: {  	s30 =	simm.s32 $0x80;
	s31 =	simm.s32 $0x40;
	v10 =	vld [tilespmem:s22+$0x8010]  }
0x4f: {  	s21 =	sand.u32 $0x40, s31;
	s1 =	sand.u32 $0x3F00, s30;
	v8 =	vld [tilespmem:s22+$0x20]  }
0x50: {  	v2 =	vld [tilespmem:s22+$0x8020];
	s23 =	sor.u32 s21, s1;
	vm0 =	veq.s32 v1, $0x12  }
0x51: {  	v5 =	vld [tilespmem:s23+$0x30];
	vm1 =	vlt.s32 v1, $0x5;
	v3 =	vsel vm0, $0x5, v0  }
0x52: {  	v6 =	vld [tilespmem:s23+$0x0];
	[tilespmem:s22+$0xC000] =	vst v9;
	vm2 =	vlt.s32 v7, $0x5;
	vm0 =	veq.s32 v4, $0x12;
	v1 =	vsel vm1, v1, v3  }
0x53: {  	[tilespmem:s22+$0xC010] =	vst v10;
	v3 =	vld [tilespmem:s22+$0x8030];
	vm1 =	veq.s32 v7, $0x12;
	v11 =	vsel vm0, $0x5, v0;
	vm0 =	vlt.s32 v4, $0x5  }
0x54: {  	[tilespmem:s22+$0x4030] =	vst v1;
	v12 =	vsel vm1, $0x5, v0;
	vm1 =	veq.s32 v8, $0x12;
	v1 =	vld [tilespmem:s23+$0x10];
	v9 =	vsel vm0, v4, v11  }
0x55: {  	vm0 =	vlt.s32 v8, $0x5;
	v4 =	vld [tilespmem:s23+$0x20];
	v10 =	vsel vm1, $0x5, v0;
	v7 =	vsel vm2, v7, v12;
	[tilespmem:s22+$0x4000] =	vst v9  }
0x56: {  	s24 =	simm.s32 $0x100;
	v9 =	vsel vm0, v8, v10;
	v8 =	vld [tilespmem:s23+$0x8000];
	[tilespmem:s22+$0x4010] =	vst v7  }
0x57: {  	s25 =	simm.s32 $0x80;
	s21 =	sshll.u32 s20, $0xE;
	s1 =	simm.s32 $0x4;
	v7 =	vld [tilespmem:s23+$0x8010];
	vm0 =	veq.s32 v5, $0x12;
	[tilespmem:s22+$0x4020] =	vst v9  }
.LBB2_11:
0x58: {  	s26 =	sand.u32 $0x40, s25;
	s28 =	sand.u32 $0x3F00, s24;
	s1 =	sadd.s32 $0x4, s1;
	vm1 =	veq.s32 v6, $0x12;
	vm2 =	vlt.s32 v5, $0x5;
	v9 =	vsel vm0, $0x5, v0;
	[tilespmem:s22+$0xC020] =	vst v2;
	v2 =	vld [tilespmem:s23+$0x8020];
	v10 =	vmovc v6  }
0x59: {  	p0 =	slt.u32 s1, $0x1FC;
	v11 =	vsel vm1, $0x5, v0;
	vm0 =	veq.s32 v1, $0x12;
	v6 =	vsel vm2, v5, v9;
	[tilespmem:s22+$0xC030] =	vst v3;
	v3 =	vld [tilespmem:s23+$0x8030];
	s22 =	smov.u32 s23;
	s23 =	sor.u32 s26, s28  }
0x5a: {  	vm1 =	vlt.s32 v10, $0x5;
	v5 =	vld [tilespmem:s23+$0x30];
	v9 =	vsel vm0, $0x5, v0;
	vm0 =	veq.s32 v4, $0x12;
	[tilespmem:s22+$0x4030] =	vst v6  }
.Ltmp6:
0x5b: {  	vm2 =	vlt.s32 v1, $0x5;
	vm3 =	vlt.s32 v4, $0x5;
	v6 =	vld [tilespmem:s23+$0x0];
	[tilespmem:s22+$0xC000] =	vst v8;
	v8 =	vsel vm0, $0x5, v0;
	(pc) =	sbr.rel @p0 .LBB2_11-.Ltmp6, $4  }
0x5c: {  	v10 =	vsel vm1, v10, v11;
	v9 =	vsel vm2, v1, v9;
	v1 =	vld [tilespmem:s23+$0x10];
	[tilespmem:s22+$0xC010] =	vst v7;
	v11 =	vsel vm3, v4, v8  }
0x5d: {  	v4 =	vld [tilespmem:s23+$0x20];
	[tilespmem:s22+$0x4000] =	vst v10  }
0x5e: {  	v8 =	vld [tilespmem:s23+$0x8000];
	[tilespmem:s22+$0x4010] =	vst v9  }
0x5f: {  	s24 =	sadd.s32 $0x80, s24;
	s25 =	sadd.s32 $0x40, s25;
	v7 =	vld [tilespmem:s23+$0x8010];
	vm0 =	veq.s32 v5, $0x12;
	[tilespmem:s22+$0x4020] =	vst v11  }
0x60: {  	vm1 =	vlt.s32 v5, $0x5;
	v9 =	vsel vm0, $0x5, v0;
	[tilespmem:s22+$0xC020] =	vst v2  }
0x61: {  	[tilespmem:s22+$0xC030] =	vst v3;
	vm11 =	veq.s32 v6, $0x12;
	v2 =	vsel vm1, v5, v9  }
0x62: {  	vm13 =	vlt.s32 v6, $0x5;
	v3 =	vsel vm11, $0x5, v0;
	[tilespmem:s23+$0x4030] =	vst v2  }
0x63: {  	v61 =	vld [tilespmem:s23+$0x8030];
	vm12 =	veq.s32 v1, $0x12;
	v3 =	vsel vm13, v6, v3;
	[tilespmem:s23+$0xC000] =	vst v8  }
0x64: {  	vm2 =	vlt.s32 v1, $0x5;
	v2 =	vld [tilespmem:s23+$0x8020];
	v62 =	vsel vm12, $0x5, v0;
	vm14 =	veq.s32 v4, $0x12;
	[tilespmem:s23+$0x4000] =	vst v3  }
0x65: {  	vm15 =	vlt.s32 v4, $0x5;
	v63 =	vsel vm14, $0x5, v0;
	v1 =	vsel vm2, v1, v62;
	[tilespmem:s23+$0xC010] =	vst v7  }
0x66: {  	s1 =	sor.u32 s7, s21;
	v3 =	vsel vm15, v4, v63;
	[tilespmem:s23+$0x4010] =	vst v1  }
0x67: {  	s22 =	sshrl.u32 s1, $0x3;
	[tilespmem:s23+$0x4020] =	vst v3  }
0x68: {  	s24 =	simm.s32 $0x4000;
	s1 =	sadd.s32 s4, s22;
	[tilespmem:s23+$0xC030] =	vst v61  }
0x69: {  	s25 =	simm.s32 $0x4100;
	s26 =	sadd.s32 $0x0, s1;
	[tilespmem:s23+$0xC020] =	vst v2;
	s23 =	simm.s32 $0x10  }
.LBB2_13:
0x6a: {  	[hbm4b:s26+s6] =	stream.linear.scatter [tilespmem:s24], [sflag:$0x3], $0x80, $0x38;
	[tilespmem:$0x10000] =	vst v63  }
0x6b: {  	s26 =	smov.u32 s23;
	s24 =	smov.u32 s25;
	p0 =	sne.s32 s23, $0x3F0  }
.Ltmp7:
0x6c: {  	s23 =	sadd.s32 $0x10, s23;
	(pc) =	sbr.rel @p0 .LBB2_13-.Ltmp7, $2  }
0x6d: {  	_ =	sdelay $0x2  }
0x6e: {  	s25 =	sadd.s32 $0x100, s25;
	s26 =	sadd.s32 s26, s1  }
0x6f: {  	[hbm4b:s26+s6] =	stream.linear.scatter [tilespmem:s24], [sflag:$0x3], $0x80, $0x38;
	[tilespmem:$0x10000] =	vst v63  }
0x70: {  	s1 =	sadd.s32 s5, s22;
	s23 =	simm.s32 $0xC000  }
0x71: {  	s24 =	simm.s32 $0x10;
	s25 =	simm.s32 $0xC100;
	s26 =	sadd.s32 $0x0, s1  }
.LBB2_15:
0x72: {  	[hbm4b:s26+s6] =	stream.linear.scatter [tilespmem:s23], [sflag:$0x3], $0x80, $0x38;
	[tilespmem:$0x10000] =	vst v63  }
0x73: {  	s26 =	smov.u32 s24;
	s23 =	smov.u32 s25;
	p0 =	sne.s32 s24, $0x3F0  }
.Ltmp8:
0x74: {  	s24 =	sadd.s32 $0x10, s24;
	(pc) =	sbr.rel @p0 .LBB2_15-.Ltmp8, $2  }
0x75: {  	_ =	sdelay $0x2  }
0x76: {  	s25 =	sadd.s32 $0x100, s25;
	s26 =	sadd.s32 s26, s1  }
0x77: {  	p0 =	seq.s32 s20, $0x3  }
.Ltmp9:
0x78: {  	_ = 	snop;
	(pc) =	sbr.rel @p0 .LBB2_22-.Ltmp9, $2  }
0x79: {  	_ =	sdelay $0x2  }
0x7a: {  	[hbm4b:s26+s6] =	stream.linear.scatter [tilespmem:s23], [sflag:$0x3], $0x80, $0x38;
	[tilespmem:$0x10000] =	vst v63  }
0x7b: {  	s1 =	sadd.s32 s21, s12  }
0x7c: {  	s1 =	sshrl.u32 s1, $0x3  }
0x7d: {  	s24 =	simm.s32 $0x0;
	s23 =	sadd.s32 s0, s1  }
0x7e: {  	s25 =	simm.s32 $0x10;
	s26 =	simm.s32 $0x100;
	s28 =	sadd.s32 $0x0, s23  }
.LBB2_18:
0x7f: {  	[tilespmem:s24], [sflag:$0x1] =	stream.linear.gather [hbm4b:s28+s6], $0x80, $0x38;
	[tilespmem:$0x10000] =	vst v63  }
0x80: {  	s28 =	smov.u32 s25;
	s24 =	smov.u32 s26;
	p2 =	sne.s32 s25, $0x3F0  }
.Ltmp10:
0x81: {  	s25 =	sadd.s32 $0x10, s25;
	(pc) =	sbr.rel @p2 .LBB2_18-.Ltmp10, $2  }
0x82: {  	_ =	sdelay $0x2  }
0x83: {  	s26 =	sadd.s32 $0x100, s26;
	s28 =	sadd.s32 s28, s23  }
0x84: {  	[tilespmem:s24], [sflag:$0x1] =	stream.linear.gather [hbm4b:s28+s6], $0x80, $0x38;
	[tilespmem:$0x10000] =	vst v63  }
0x85: {  	s1 =	sadd.s32 s3, s1;
	s23 =	simm.s32 $0x8000  }
0x86: {  	s24 =	simm.s32 $0x10;
	s25 =	simm.s32 $0x8100;
	s26 =	sadd.s32 $0x0, s1  }
.LBB2_20:
0x87: {  	[tilespmem:s23], [sflag:$0x1] =	stream.linear.gather [hbm4b:s26+s6], $0x80, $0x38;
	[tilespmem:$0x10000] =	vst v63  }
0x88: {  	s26 =	smov.u32 s24;
	s23 =	smov.u32 s25;
	p2 =	sne.s32 s24, $0x3F0  }
.Ltmp11:
0x89: {  	s24 =	sadd.s32 $0x10, s24;
	(pc) =	sbr.rel @p2 .LBB2_20-.Ltmp11, $2  }
0x8a: {  	_ =	sdelay $0x2  }
0x8b: {  	s25 =	sadd.s32 $0x100, s25;
	s26 =	sadd.s32 s26, s1  }
0x8c: {  	[tilespmem:s23], [sflag:$0x1] =	stream.linear.gather [hbm4b:s26+s6], $0x80, $0x38;
	[tilespmem:$0x10000] =	vst v63  }
.LBB2_22:
0x8d: {  	_ =	swait.ge [sflag:s16], $0x2000  }
0x8e: {  	[sflag:s16] =	ssyncset.done $0x0  }
0x8f: {  	[sflag:s16] =	ssyncadd.s32 $0xFFFFE000  }
0x90: {  	_ =	swait.ge [sflag:s16], $0x2000  }
0x91: {  	[sflag:s16] =	ssyncset.done $0x0  }
0x92: {  	s1 =	simm.s32 @!p1 $0x4;
	[sflag:s16] =	ssyncadd.s32 $0xFFFFE000  }
0x93: {  	_ =	swait.ge @!p1 [sflag:s1], $0x2000  }
0x94: {  	p2 =	por $0x0, $0x0;
	s23 =	simm.s32 $0x1;
	[sflag:s1] =	ssyncset.done @!p1 $0x0  }
0x95: {  	s23 =	simm.s32 @!p2 $0x0;
	[sflag:s1] =	ssyncadd.s32 @!p1 $0xFFFFE000  }
0x96: {  	s23 =	sshll.u32 s23, $0x6;
	_ =	swait.ge @!p1 [sflag:s1], $0x2000  }
0x97: {  	s23 =	sadd.s32 $0x0, s23;
	[sflag:s1] =	ssyncset.done @!p1 $0x0  }
0x98: {  	s25 =	sor.u32 $0xB0, s23;
	[sflag:s1] =	ssyncadd.s32 @!p1 $0xFFFFE000  }
0x99: {  	s2 =	sor.u32 $0x80, s23;
	v2 =	vld [tilespmem:s25+$0x0]  }
0x9a: {  	s28 =	sor.u32 $0x90, s23;
	v4 =	vld [tilespmem:s2+$0x0]  }
0x9b: {  	v7 =	vld [tilespmem:s28+$0x0]  }
0x9c: {  	s26 =	sor.u32 $0xA0, s23;
	p1 =	por !p2, !p2;
	s1 =	simm.s32 $0x1;
	v3 =	vld [tilespmem:s2+$0x8000]  }
0x9d: {  	v9 =	vld [tilespmem:s26+$0x0];
	s1 =	simm.s32 @!p1 $0x0  }
0x9e: {  	v8 =	vld [tilespmem:s28+$0x8000];
	s1 =	sshll.u32 s1, $0x6  }
0x9f: {  	s1 =	sadd.s32 $0x80, s1  }
0xa0: {  	v1 =	vld [tilespmem:s26+$0x8000];
	s30 =	sor.u32 $0x90, s1;
	vm0 =	veq.s32 v2, $0x12;
	vm1 =	vlt.s32 v2, $0x5  }
0xa1: {  	vm12 =	veq.s32 v4, $0x12;
	vm13 =	veq.s32 v7, $0x12;
	[tilespmem:s2+$0xC000] =	vst v3;
	v3 =	vld [tilespmem:s30+$0x0];
	v5 =	vsel vm0, $0x5, v0  }
0xa2: {  	s23 =	sor.u32 $0xB0, s1;
	vm14 =	vlt.s32 v4, $0x5;
	vm15 =	veq.s32 v9, $0x12;
	v6 =	vsel vm1, v2, v5;
	v2 =	vld [tilespmem:s25+$0x8000]  }
0xa3: {  	s29 =	sor.u32 $0xA0, s1;
	vm2 =	vlt.s32 v7, $0x5;
	vm3 =	vlt.s32 v9, $0x5;
	[tilespmem:s28+$0xC000] =	vst v8;
	v10 =	vsel vm12, $0x5, v0;
	v5 =	vld [tilespmem:s23+$0x0]  }
0xa4: {  	s24 =	sor.u32 $0x80, s1;
	v11 =	vsel vm13, $0x5, v0;
	v12 =	vsel vm15, $0x5, v0;
	v10 =	vsel vm14, v4, v10;
	v4 =	vld [tilespmem:s29+$0x0];
	[tilespmem:s25+$0x4000] =	vst v6  }
0xa5: {  	s31 =	simm.s32 $0x4;
	p1 =	por !p1, !p1;
	s1 =	simm.s32 $0x80;
	v8 =	vsel vm2, v7, v11;
	v7 =	vsel vm3, v9, v12;
	v6 =	vld [tilespmem:s24+$0x0];
	[tilespmem:s2+$0x4000] =	vst v10  }
.LBB2_23:
0xa6: {  	s2 =	simm.s32 $0x1  }
0xa7: {  	s31 =	sadd.s32 $0x4, s31;
	s2 =	simm.s32 @!p1 $0x0  }
0xa8: {  	v9 =	vld [tilespmem:s24+$0x8000];
	[tilespmem:s28+$0x4000] =	vst v8;
	s28 =	smov.u32 s30;
	s1 =	sadd.s32 $0x80, s1;
	s2 =	sshll.u32 s2, $0x6  }
0xa9: {  	p2 =	slt.u32 s31, $0x1FC;
	vm0 =	veq.s32 v5, $0x12;
	v10 =	vld [tilespmem:s28+$0x8000];
	[tilespmem:s26+$0x4000] =	vst v7;
	s2 =	sadd.s32 s2, s1  }
0xaa: {  	vm2 =	vlt.s32 v5, $0x5;
	vm1 =	veq.s32 v6, $0x12;
	v7 =	vsel vm0, $0x5, v0;
	v8 =	vmovc v6;
	[tilespmem:s26+$0xC000] =	vst v1;
	v1 =	vld [tilespmem:s29+$0x8000];
	s26 =	smov.u32 s29;
	s14 =	sor.u32 $0x80, s2  }
.Ltmp12:
0xab: {  	v11 =	vsel vm1, $0x5, v0;
	vm0 =	veq.s32 v3, $0x12;
	v6 =	vsel vm2, v5, v7;
	s30 =	sor.u32 $0x90, s2;
	s17 =	sor.u32 $0xB0, s2;
	[tilespmem:s25+$0xC000] =	vst v2;
	v2 =	vld [tilespmem:s23+$0x8000];
	(pc) =	sbr.rel @p2 .LBB2_23-.Ltmp12, $4  }
0xac: {  	vm1 =	vlt.s32 v8, $0x5;
	s29 =	sor.u32 $0xA0, s2;
	v7 =	vsel vm0, $0x5, v0;
	vm0 =	veq.s32 v4, $0x12;
	s25 =	smov.u32 s23;
	v5 =	vld [tilespmem:s17+$0x0];
	[tilespmem:s23+$0x4000] =	vst v6;
	s23 =	smov.u32 s17  }
0xad: {  	vm2 =	vlt.s32 v3, $0x5;
	vm3 =	vlt.s32 v4, $0x5;
	v6 =	vld [tilespmem:s14+$0x0];
	[tilespmem:s24+$0xC000] =	vst v9;
	v9 =	vsel vm0, $0x5, v0  }
0xae: {  	v11 =	vsel vm1, v8, v11;
	v8 =	vsel vm2, v3, v7;
	v3 =	vld [tilespmem:s30+$0x0];
	[tilespmem:s28+$0xC000] =	vst v10;
	v7 =	vsel vm3, v4, v9  }
0xaf: {  	p1 =	por !p1, !p1;
	v4 =	vld [tilespmem:s29+$0x0];
	[tilespmem:s24+$0x4000] =	vst v11;
	s24 =	smov.u32 s14  }
0xb0: {  	v9 =	vld [tilespmem:s24+$0x8000];
	[tilespmem:s28+$0x4000] =	vst v8  }
0xb1: {  	v59 =	vld [tilespmem:s30+$0x8000];
	[tilespmem:s26+$0x4000] =	vst v7;
	vm0 =	veq.s32 v5, $0x12  }
0xb2: {  	[tilespmem:s26+$0xC000] =	vst v1;
	vm1 =	vlt.s32 v5, $0x5;
	v60 =	vsel vm0, $0x5, v0  }
0xb3: {  	v61 =	vld [tilespmem:s23+$0x8000];
	[tilespmem:s25+$0xC000] =	vst v2;
	v1 =	vsel vm1, v5, v60  }
0xb4: {  	vm11 =	veq.s32 v6, $0x12;
	[tilespmem:s23+$0x4000] =	vst v1  }
0xb5: {  	vm13 =	vlt.s32 v6, $0x5;
	v2 =	vsel vm11, $0x5, v0;
	[tilespmem:s24+$0xC000] =	vst v9  }
0xb6: {  	vm12 =	veq.s32 v3, $0x12;
	v1 =	vld [tilespmem:s29+$0x8000];
	v2 =	vsel vm13, v6, v2;
	[tilespmem:s30+$0xC000] =	vst v59  }
0xb7: {  	vm2 =	vlt.s32 v3, $0x5;
	v62 =	vsel vm12, $0x5, v0;
	vm14 =	veq.s32 v4, $0x12;
	[tilespmem:s24+$0x4000] =	vst v2  }
0xb8: {  	vm15 =	vlt.s32 v4, $0x5;
	v63 =	vsel vm14, $0x5, v0;
	v3 =	vsel vm2, v3, v62;
	[tilespmem:s23+$0xC000] =	vst v61  }
0xb9: {  	s1 =	sor.u32 $0x400, s22;
	v2 =	vsel vm15, v4, v63;
	[tilespmem:s30+$0x4000] =	vst v3  }
0xba: {  	s25 =	simm.s32 $0x4180;
	s22 =	sadd.s32 s4, s1;
	[tilespmem:s29+$0x4000] =	vst v2  }
0xbb: {  	s26 =	sadd.s32 $0x0, s22;
	s24 =	simm.s32 $0x4080;
	s23 =	simm.s32 $0x10;
	[tilespmem:s29+$0xC000] =	vst v1  }
.LBB2_25:
0xbc: {  	[hbm4b:s26+s6] =	stream.linear.scatter [tilespmem:s24], [sflag:$0x4], $0x80, $0x38;
	[tilespmem:$0x10000] =	vst v63  }
0xbd: {  	s2 =	smov.u32 s23;
	s24 =	smov.u32 s25;
	p1 =	sne.s32 s23, $0x3F0  }
.Ltmp13:
0xbe: {  	s23 =	sadd.s32 $0x10, s23;
	(pc) =	sbr.rel @p1 .LBB2_25-.Ltmp13, $2  }
0xbf: {  	_ =	sdelay $0x2  }
0xc0: {  	s25 =	sadd.s32 $0x100, s25;
	s26 =	sadd.s32 s2, s22  }
0xc1: {  	[hbm4b:s26+s6] =	stream.linear.scatter [tilespmem:s24], [sflag:$0x4], $0x80, $0x38;
	[tilespmem:$0x10000] =	vst v63  }
0xc2: {  	s1 =	sadd.s32 s5, s1;
	s22 =	simm.s32 $0xC080  }
0xc3: {  	s23 =	simm.s32 $0x10;
	s24 =	simm.s32 $0xC180;
	s25 =	sadd.s32 $0x0, s1  }
.LBB2_27:
0xc4: {  	[hbm4b:s25+s6] =	stream.linear.scatter [tilespmem:s22], [sflag:$0x4], $0x80, $0x38;
	[tilespmem:$0x10000] =	vst v63  }
0xc5: {  	s2 =	smov.u32 s23;
	s22 =	smov.u32 s24;
	p1 =	sne.s32 s23, $0x3F0  }
.Ltmp14:
0xc6: {  	s23 =	sadd.s32 $0x10, s23;
	(pc) =	sbr.rel @p1 .LBB2_27-.Ltmp14, $2  }
0xc7: {  	_ =	sdelay $0x2  }
0xc8: {  	s24 =	sadd.s32 $0x100, s24;
	s25 =	sadd.s32 s2, s1  }
.Ltmp15:
0xc9: {  	(pc) =	sbr.rel @p0 .LBB2_34-.Ltmp15, $2  }
0xca: {  	_ =	sdelay $0x2  }
0xcb: {  	[hbm4b:s25+s6] =	stream.linear.scatter [tilespmem:s22], [sflag:$0x4], $0x80, $0x38;
	[tilespmem:$0x10000] =	vst v63  }
0xcc: {  	s1 =	sadd.s32 s21, s13  }
0xcd: {  	s1 =	sshrl.u32 s1, $0x3  }
0xce: {  	s22 =	simm.s32 $0x80;
	s21 =	sadd.s32 s0, s1  }
0xcf: {  	s23 =	simm.s32 $0x10;
	s24 =	simm.s32 $0x180;
	s25 =	sadd.s32 $0x0, s21  }
.LBB2_30:
0xd0: {  	[tilespmem:s22], [sflag:$0x2] =	stream.linear.gather [hbm4b:s25+s6], $0x80, $0x38;
	[tilespmem:$0x10000] =	vst v63  }
0xd1: {  	s2 =	smov.u32 s23;
	s22 =	smov.u32 s24;
	p0 =	sne.s32 s23, $0x3F0  }
.Ltmp16:
0xd2: {  	s23 =	sadd.s32 $0x10, s23;
	(pc) =	sbr.rel @p0 .LBB2_30-.Ltmp16, $2  }
0xd3: {  	_ =	sdelay $0x2  }
0xd4: {  	s24 =	sadd.s32 $0x100, s24;
	s25 =	sadd.s32 s2, s21  }
0xd5: {  	[tilespmem:s22], [sflag:$0x2] =	stream.linear.gather [hbm4b:s25+s6], $0x80, $0x38;
	[tilespmem:$0x10000] =	vst v63  }
0xd6: {  	s1 =	sadd.s32 s3, s1;
	s21 =	simm.s32 $0x8080  }
0xd7: {  	s22 =	simm.s32 $0x10;
	s23 =	simm.s32 $0x8180;
	s24 =	sadd.s32 $0x0, s1  }
.LBB2_32:
0xd8: {  	[tilespmem:s21], [sflag:$0x2] =	stream.linear.gather [hbm4b:s24+s6], $0x80, $0x38;
	[tilespmem:$0x10000] =	vst v63  }
0xd9: {  	s2 =	smov.u32 s22;
	s21 =	smov.u32 s23;
	p0 =	sne.s32 s22, $0x3F0  }
.Ltmp17:
0xda: {  	s22 =	sadd.s32 $0x10, s22;
	(pc) =	sbr.rel @p0 .LBB2_32-.Ltmp17, $2  }
0xdb: {  	_ =	sdelay $0x2  }
0xdc: {  	s23 =	sadd.s32 $0x100, s23;
	s24 =	sadd.s32 s2, s1  }
.Ltmp18:
0xdd: {  	(pc) =	sbr.rel .LBB2_10-.Ltmp18, $3  }
0xde: {  	_ =	sdelay $0x1  }
0xdf: {  	[tilespmem:s21], [sflag:$0x2] =	stream.linear.gather [hbm4b:s24+s6], $0x80, $0x38;
	[tilespmem:$0x10000] =	vst v63  }
0xe0: {  	s20 =	sadd.s32 $0x1, s20  }
.LBB2_35:
0xe1: {  	_ =	sfence.sel $0x180000  }
0xe2: {  	[bflag:$0x0] =	sbarrier.arrive $0xFFFF  }
0xe3: {  	_ =	strace $0x90000047  }
0xe4: {  	s0 =	stileid.u32;
	[bflag:$0x2] =	sbarrier.arrive $0xFFFF  }
0xe5: {  	p0 =	sne.s32 s0, $0x0;
	s0 =	rddreg [dreg:$0x4]  }
0xe6: {  	s0 =	sadd.s32 @!p0 $0x100000, s0  }
0xe7: {  	[sflag:s0] =	ssyncadd.tile.s32 @!p0 $0x1;
	_ =	shalt  }
.Lfunc_end2:
_tile_overlayer_lowered:
.L_overlay_start_2:
0xe8: {  	(tag) =	ssettag $0x2  }
0xe9: {  	s0 =	rddreg [dreg:$0x0];
	s2 =	stileid.u32  }
0xea: {  	s1 =	rddreg [dreg:$0x1];
	p0 =	sne.s32 s2, $0x0  }
0xeb: {  	s3 =	rddreg [dreg:$0x2];
	[bflag:$0x3] =	sbarrier.arrive $0xFFFF;
	s2 =	simm.s32 @!p0 $0x1C05  }
0xec: {  	[timem:s3], [sflag:s2] =	dma.local @!p0 [hbm:s0], s1  }
0xed: {  	s0 =	simm.s32 @!p0 $0x5  }
0xee: {  	_ =	swait.ge @!p0 [sflag:s0], s1  }
0xef: {  	s1 =	ssub.s32 @!p0 $0x0, s1;
	[sflag:s0] =	ssyncset.done @!p0 $0x0  }
0xf0: {  	[sflag:s0] =	ssyncadd.s32 @!p0 s1  }
0xf1: {  	[bflag:$0x3] =	sbarrier.arrive $0xFFFF  }
0xf2: {  	_ =	shalt  }

</sc_bundles>
